<compile_context>
chip_gen: v7x
topology: tpu7x:2x2x1
jax: 0.10.2.dev20260603
libtpu: 0.0.44.dev20260713+nightly
codegen_flags: <defaults>
</compile_context>

<pallas_src>
import functools

import jax
import jax.numpy as jnp
from jax import lax
from jax.experimental import pallas as pl
from jax.experimental.pallas import tpu as pltpu
from jax.experimental.pallas import tpu_sc as plsc

T, H, FF, E = 2048, 1024, 2048, 8
BLK = 256
NBLK = 24
PADDED = NBLK * BLK
NBLK_PAD = 128
FFC = 1024
NW = 32
TPW = T // NW
CH = 32


def _router_body(x_ref, gw_ref, pos1_ref, pos2_ref, w1_ref, w2_ref, be_ref):
    x = x_ref[...]
    gw = gw_ref[...]
    logits = lax.dot_general(x, gw, (((1,), (1,)), ((), ())),
                             preferred_element_type=jnp.float32)
    m = jnp.max(logits, axis=1, keepdims=True)
    ex = jnp.exp(logits - m)
    probs = ex / jnp.sum(ex, axis=1, keepdims=True)

    eids = lax.broadcasted_iota(jnp.int32, (T, E), 1)
    m1 = jnp.max(probs, axis=1, keepdims=True)
    e1 = jnp.min(jnp.where(probs >= m1, eids, E), axis=1, keepdims=True)
    one1 = eids == e1
    pm = jnp.where(one1, -1.0, probs)
    m2 = jnp.max(pm, axis=1, keepdims=True)
    e2 = jnp.min(jnp.where(pm >= m2, eids, E), axis=1, keepdims=True)
    one2 = eids == e2

    denom = m1 + m2
    w1 = m1 / denom
    w2 = m2 / denom

    o1 = one1.astype(jnp.float32)
    o2 = one2.astype(jnp.float32)
    c1 = jnp.sum(o1, axis=0, keepdims=True)
    c2 = jnp.sum(o2, axis=0, keepdims=True)
    cnti = (c1 + c2).astype(jnp.int32)
    nblk = (cnti + BLK - 1) // BLK

    tri = (lax.broadcasted_iota(jnp.int32, (E, E), 0)
           < lax.broadcasted_iota(jnp.int32, (E, E), 1)).astype(jnp.float32)
    bstart = lax.dot_general(nblk.astype(jnp.float32), tri,
                             (((1,), (0,)), ((), ())),
                             preferred_element_type=jnp.float32)
    start = BLK * bstart

    def _excl_cumsum0(a):
        acc = a
        sft = 1
        while sft < a.shape[0]:
            z = jnp.zeros((sft, a.shape[1]), a.dtype)
            acc = acc + jnp.concatenate([z, acc[:-sft]], axis=0)
            sft *= 2
        return acc - a

    r1x = _excl_cumsum0(o1)
    r2x = _excl_cumsum0(o2)
    rank1 = jnp.sum(r1x * o1, axis=1, keepdims=True)
    rank2 = (jnp.sum(r2x * o2, axis=1, keepdims=True)
             + jnp.sum(o2 * c1, axis=1, keepdims=True))
    p1 = jnp.sum(o1 * start, axis=1, keepdims=True) + rank1
    p2 = jnp.sum(o2 * start, axis=1, keepdims=True) + rank2

    pos1_ref[...] = p1.astype(jnp.int32)
    pos2_ref[...] = p2.astype(jnp.int32)
    w1_ref[...] = jnp.broadcast_to(w1, (T, 128))
    w2_ref[...] = jnp.broadcast_to(w2, (T, 128))

    bend = start + BLK * nblk.astype(jnp.float32)
    bids = (lax.broadcasted_iota(jnp.int32, (NBLK_PAD, E), 0) * BLK
            ).astype(jnp.float32)
    ge = (bids >= jnp.broadcast_to(bend, (NBLK_PAD, E))).astype(jnp.int32)
    be_ref[...] = jnp.minimum(jnp.sum(ge, axis=1, keepdims=True), E - 1)


def _router(x, gate_w):
    return pl.pallas_call(
        _router_body,
        out_shape=[
            jax.ShapeDtypeStruct((T, 1), jnp.int32),
            jax.ShapeDtypeStruct((T, 1), jnp.int32),
            jax.ShapeDtypeStruct((T, 128), jnp.float32),
            jax.ShapeDtypeStruct((T, 128), jnp.float32),
            jax.ShapeDtypeStruct((NBLK_PAD, 1), jnp.int32),
        ],
    )(x, gate_w)


def _dispatch_body(x_hbm, pos1_hbm, pos2_hbm, w1_hbm, w2_hbm, xs_hbm, ws_hbm,
                   idx1_v, idx2_v, xrows_v, w1_v, w2_v, sem):
    wid = lax.axis_index("s") * 2 + lax.axis_index("c")
    base = wid * TPW
    pltpu.sync_copy(pos1_hbm.at[pl.ds(base, TPW)], idx1_v)
    pltpu.sync_copy(pos2_hbm.at[pl.ds(base, TPW)], idx2_v)
    pltpu.sync_copy(x_hbm.at[pl.ds(base, TPW)], xrows_v)
    pltpu.sync_copy(w1_hbm.at[pl.ds(base, TPW)], w1_v)
    pltpu.sync_copy(w2_hbm.at[pl.ds(base, TPW)], w2_v)
    pltpu.async_copy(xrows_v, xs_hbm.at[idx1_v], sem).wait()
    pltpu.async_copy(xrows_v, xs_hbm.at[idx2_v], sem).wait()
    pltpu.async_copy(w1_v, ws_hbm.at[idx1_v], sem).wait()
    pltpu.async_copy(w2_v, ws_hbm.at[idx2_v], sem).wait()


@functools.lru_cache(maxsize=None)
def _dispatch_kernel():
    mesh = plsc.VectorSubcoreMesh(core_axis_name="c", subcore_axis_name="s")
    return pl.kernel(
        _dispatch_body,
        out_type=[jax.ShapeDtypeStruct((PADDED, H), jnp.float32),
                  jax.ShapeDtypeStruct((PADDED, 128), jnp.float32)],
        mesh=mesh,
        scratch_types=[
            pltpu.VMEM((TPW,), jnp.int32),
            pltpu.VMEM((TPW,), jnp.int32),
            pltpu.VMEM((TPW, H), jnp.float32),
            pltpu.VMEM((TPW, 128), jnp.float32),
            pltpu.VMEM((TPW, 128), jnp.float32),
            pltpu.SemaphoreType.DMA,
        ],
    )


def _up_body(be_ref, xs_ref, wg_ref, wu_ref, h_ref):
    del be_ref
    xsb = xs_ref[...]
    g = lax.dot_general(xsb, wg_ref[0], (((1,), (1,)), ((), ())),
                        preferred_element_type=jnp.float32)
    u = lax.dot_general(xsb, wu_ref[0], (((1,), (1,)), ((), ())),
                        preferred_element_type=jnp.float32)
    h_ref[...] = g * lax.logistic(g) * u


def _up(be, xs, Wg, Wu):
    grid_spec = pltpu.PrefetchScalarGridSpec(
        num_scalar_prefetch=1,
        grid=(FF // FFC, NBLK),
        in_specs=[
            pl.BlockSpec((BLK, H), lambda f, b, be_s: (b, 0)),
            pl.BlockSpec((1, FFC, H), lambda f, b, be_s: (be_s[b], f, 0)),
            pl.BlockSpec((1, FFC, H), lambda f, b, be_s: (be_s[b], f, 0)),
        ],
        out_specs=pl.BlockSpec((BLK, FFC), lambda f, b, be_s: (b, f)),
    )
    return pl.pallas_call(
        _up_body,
        grid_spec=grid_spec,
        out_shape=jax.ShapeDtypeStruct((PADDED, FF), jnp.float32),
    )(be, xs, Wg, Wu)


def _down_body(be_ref, h_ref, wd_ref, ws_ref, ys_ref):
    del be_ref
    o = lax.dot_general(h_ref[...], wd_ref[0], (((1,), (1,)), ((), ())),
                        preferred_element_type=jnp.float32)
    ys_ref[...] = o * ws_ref[:, 0:1]


def _down(be, h, Wd, ws):
    grid_spec = pltpu.PrefetchScalarGridSpec(
        num_scalar_prefetch=1,
        grid=(NBLK,),
        in_specs=[
            pl.BlockSpec((BLK, FF), lambda b, be_s: (b, 0)),
            pl.BlockSpec((1, H, FF), lambda b, be_s: (be_s[b], 0, 0)),
            pl.BlockSpec((BLK, 128), lambda b, be_s: (b, 0)),
        ],
        out_specs=pl.BlockSpec((BLK, H), lambda b, be_s: (b, 0)),
    )
    return pl.pallas_call(
        _down_body,
        grid_spec=grid_spec,
        out_shape=jax.ShapeDtypeStruct((PADDED, H), jnp.float32),
    )(be, h, Wd, ws)


def _combine_body(ys_hbm, pos1_hbm, pos2_hbm, out_hbm, idx1_v, idx2_v, r1_v,
                  r2_v, sem):
    wid = lax.axis_index("s") * 2 + lax.axis_index("c")
    for c in range(TPW // CH):
        base = wid * TPW + c * CH
        pltpu.sync_copy(pos1_hbm.at[pl.ds(base, CH)], idx1_v)
        pltpu.sync_copy(pos2_hbm.at[pl.ds(base, CH)], idx2_v)
        pltpu.async_copy(ys_hbm.at[idx1_v], r1_v, sem).wait()
        pltpu.async_copy(ys_hbm.at[idx2_v], r2_v, sem).wait()

        def row_body(i, _):
            def col_body(j, _):
                sl = pl.ds(j * 16, 16)
                r1_v[i, sl] = r1_v[i, sl] + r2_v[i, sl]
                return 0
            return lax.fori_loop(0, H // 16, col_body, 0)

        lax.fori_loop(0, CH, row_body, 0)
        pltpu.sync_copy(r1_v, out_hbm.at[pl.ds(base, CH)])


@functools.lru_cache(maxsize=None)
def _combine_kernel():
    mesh = plsc.VectorSubcoreMesh(core_axis_name="c", subcore_axis_name="s")
    return pl.kernel(
        _combine_body,
        out_type=jax.ShapeDtypeStruct((T, H), jnp.float32),
        mesh=mesh,
        scratch_types=[
            pltpu.VMEM((CH,), jnp.int32),
            pltpu.VMEM((CH,), jnp.int32),
            pltpu.VMEM((CH, H), jnp.float32),
            pltpu.VMEM((CH, H), jnp.float32),
            pltpu.SemaphoreType.DMA,
        ],
    )


def kernel(hidden_states, gate_w, Wg, Wu, Wd):
    b, s, h = hidden_states.shape
    x = hidden_states.reshape(-1, h)
    pos1c, pos2c, w1x, w2x, bec = _router(x, gate_w)
    pos1 = pos1c.reshape(T)
    pos2 = pos2c.reshape(T)
    be = bec.reshape(-1)[:NBLK]
    xs, ws = _dispatch_kernel()(x, pos1, pos2, w1x, w2x)
    hact = _up(be, xs, Wg, Wu)
    ys = _down(be, hact, Wd, ws)
    out = _combine_kernel()(ys, pos1, pos2)
    return out.reshape(b, s, h)

# --- scband reference (transcript-rebuilt; emitter-appended) ---
"""Pipeline reference for scband-sparse-moe-ffn-18640158065027 (READ-ONLY COPY).

The authoritative reference and input builder live on the scoring server;
editing this copy changes nothing except your own understanding.
"""

import jax, jax.numpy as jnp
import numpy as np

B, S, H, FF, E, K = 1, 2048, 1024, 2048, 8, 2


def setup_inputs(seed: int = 0) -> dict:
    key = jax.random.key(seed)
    ks = jax.random.split(key, 5)
    hidden_states = jax.random.normal(ks[0], (B, S, H), dtype=jnp.float32)
    gate_w = jax.random.normal(ks[1], (E, H), dtype=jnp.float32) * 0.02
    Wg = jax.random.normal(ks[2], (E, FF, H), dtype=jnp.float32) * 0.02
    Wu = jax.random.normal(ks[3], (E, FF, H), dtype=jnp.float32) * 0.02
    Wd = jax.random.normal(ks[4], (E, H, FF), dtype=jnp.float32) * 0.02
    return {"hidden_states": hidden_states, "gate_w": gate_w, "Wg": Wg, "Wu": Wu, "Wd": Wd}


def reference(hidden_states, gate_w, Wg, Wu, Wd):
    # eval-mode forward (training balancer EMA branch is inactive)
    b, s, h = hidden_states.shape
    x = hidden_states.reshape(-1, h)  # [T, H]
    T = x.shape[0]
    router_logits = x @ gate_w.T  # [T, E]
    routing_probs = jax.nn.softmax(router_logits.astype(jnp.float32), axis=1)
    routing_weights, selected_experts = jax.lax.top_k(routing_probs, K)  # [T, K]
    # norm_topk_prob = True
    routing_weights = routing_weights / jnp.sum(routing_weights, axis=-1, keepdims=True)
    routing_weights = routing_weights.astype(x.dtype)
    # scatter top-k weights into dense per-expert combine weights [T, E]
    combine = jnp.zeros((T, E), dtype=x.dtype)
    combine = combine.at[jnp.arange(T)[:, None], selected_experts].add(routing_weights)
    out = jnp.zeros((T, h), dtype=x.dtype)
    for e in range(E):
        g = jax.nn.silu(x @ Wg[e].T)
        u = x @ Wu[e].T
        expert_out = (g * u) @ Wd[e].T  # [T, H]
        out = out + combine[:, e:e + 1] * expert_out
    return out.reshape(b, s, h)

if __name__ == "__main__":
    import jax
    _d = setup_inputs()
    print(jax.jit(kernel)(*tuple(_d.values())))

</pallas_src>

<mosaic_0001>
#map = affine_map<(d0, d1) -> (0, 0)>
#map1 = affine_map<(d0, d1) -> (0)>
module attributes {stable_mosaic.version = 14 : i64} {
  func.func @_combine_body(%arg0: i32, %arg1: i32, %arg2: memref<6144x1024xf32, #tpu.memory_space<hbm>>, %arg3: memref<2048xi32, #tpu.memory_space<hbm>>, %arg4: memref<2048xi32, #tpu.memory_space<hbm>>, %arg5: memref<2048x1024xf32, #tpu.memory_space<hbm>>, %arg6: memref<32xi32, #tpu.memory_space<vmem>>, %arg7: memref<32xi32, #tpu.memory_space<vmem>>, %arg8: memref<32x1024xf32, #tpu.memory_space<vmem>>, %arg9: memref<32x1024xf32, #tpu.memory_space<vmem>>, %arg10: memref<!tpu.dma_semaphore, #tpu.memory_space<semaphore_mem>>) attributes {dimension_semantics = [#tpu.dimension_semantics<core_parallel>, #tpu.dimension_semantics<subcore_parallel>], iteration_bounds = array<i64: 2, 16>, scalar_prefetch = 0 : i64, scratch_operands = 5 : i64, tpu.core_type = #tpu.core_type<sc_vector_subcore>, window_params = [{transform_indices = #map}, {transform_indices = #map1}, {transform_indices = #map1}, {transform_indices = #map}]} {
    %mul3A = arith.constant 2 : i32
    %mul3A_0 = arith.muli %arg1, %mul3A : i32
    %add3A = arith.addi %mul3A_0, %arg0 : i32
    %mul3A_1 = arith.constant 64 : i32
    %mul3A_2 = arith.muli %add3A, %mul3A_1 : i32
    %add3A_3 = arith.constant 0 : i32
    %add3A_4 = arith.addi %mul3A_2, %add3A_3 : i32
    "tpu.region"() ({
      %run_scoped3A = tpu.sem_alloc : memref<!tpu.dma_semaphore, #tpu.memory_space<semaphore_mem>>
      %dma_start3A_44 = tpu.memref_slice %arg3[%add3A_4] : memref<2048xi32, #tpu.memory_space<hbm>> -> memref<32xi32, #tpu.memory_space<hbm>>
      %dma_start3A_45 = tpu.memref_slice %arg3[%add3A_4] : memref<2048xi32, #tpu.memory_space<hbm>> -> memref<32xi32, #tpu.memory_space<hbm>>
      tpu.enqueue_dma source(%dma_start3A_45 : memref<32xi32, #tpu.memory_space<hbm>>) target(%arg6 : memref<32xi32, #tpu.memory_space<vmem>>) target_semaphore(%run_scoped3A : memref<!tpu.dma_semaphore, #tpu.memory_space<semaphore_mem>>)
      %dma_wait3A_46 = tpu.memref_slice %arg3[%add3A_4] : memref<2048xi32, #tpu.memory_space<hbm>> -> memref<32xi32, #tpu.memory_space<hbm>>
      %dma_wait3A_47 = tpu.memref_slice %arg3[%add3A_4] : memref<2048xi32, #tpu.memory_space<hbm>> -> memref<32xi32, #tpu.memory_space<hbm>>
      tpu.wait_dma2 semaphore(%run_scoped3A : memref<!tpu.dma_semaphore, #tpu.memory_space<semaphore_mem>>) src(%dma_wait3A_47 : memref<32xi32, #tpu.memory_space<hbm>>) dst(%arg6 : memref<32xi32, #tpu.memory_space<vmem>>)
      tpu.yield
    }) : () -> ()
    "tpu.region"() ({
      %run_scoped3A = tpu.sem_alloc : memref<!tpu.dma_semaphore, #tpu.memory_space<semaphore_mem>>
      %dma_start3A_44 = tpu.memref_slice %arg4[%add3A_4] : memref<2048xi32, #tpu.memory_space<hbm>> -> memref<32xi32, #tpu.memory_space<hbm>>
      %dma_start3A_45 = tpu.memref_slice %arg4[%add3A_4] : memref<2048xi32, #tpu.memory_space<hbm>> -> memref<32xi32, #tpu.memory_space<hbm>>
      tpu.enqueue_dma source(%dma_start3A_45 : memref<32xi32, #tpu.memory_space<hbm>>) target(%arg7 : memref<32xi32, #tpu.memory_space<vmem>>) target_semaphore(%run_scoped3A : memref<!tpu.dma_semaphore, #tpu.memory_space<semaphore_mem>>)
      %dma_wait3A_46 = tpu.memref_slice %arg4[%add3A_4] : memref<2048xi32, #tpu.memory_space<hbm>> -> memref<32xi32, #tpu.memory_space<hbm>>
      %dma_wait3A_47 = tpu.memref_slice %arg4[%add3A_4] : memref<2048xi32, #tpu.memory_space<hbm>> -> memref<32xi32, #tpu.memory_space<hbm>>
      tpu.wait_dma2 semaphore(%run_scoped3A : memref<!tpu.dma_semaphore, #tpu.memory_space<semaphore_mem>>) src(%dma_wait3A_47 : memref<32xi32, #tpu.memory_space<hbm>>) dst(%arg7 : memref<32xi32, #tpu.memory_space<vmem>>)
      tpu.yield
    }) : () -> ()
    %dma_start3A = arith.constant 0 : i32
    %dma_start3A_5 = arith.constant 0 : i32
    %dma_start3A_6 = tpu.memref_slice %arg2[%dma_start3A, %dma_start3A_5] : memref<6144x1024xf32, #tpu.memory_space<hbm>> -> memref<6144x1024xf32, #tpu.memory_space<hbm>>
    tpu.enqueue_indirect_dma source(%dma_start3A_6 : memref<6144x1024xf32, #tpu.memory_space<hbm>>) target(%arg8 : memref<32x1024xf32, #tpu.memory_space<vmem>>) offsets(%arg6 : memref<32xi32, #tpu.memory_space<vmem>>) semaphore(%arg10 : memref<!tpu.dma_semaphore, #tpu.memory_space<semaphore_mem>>)
    %dma_wait3A = arith.constant 0 : i32
    %dma_wait3A_7 = arith.constant 0 : i32
    %dma_wait3A_8 = tpu.memref_slice %arg2[%dma_wait3A, %dma_wait3A_7] : memref<6144x1024xf32, #tpu.memory_space<hbm>> -> memref<6144x1024xf32, #tpu.memory_space<hbm>>
    tpu.wait_indirect_dma semaphore(%arg10 : memref<!tpu.dma_semaphore, #tpu.memory_space<semaphore_mem>>) src(%dma_wait3A_8 : memref<6144x1024xf32, #tpu.memory_space<hbm>>) dst(%arg8 : memref<32x1024xf32, #tpu.memory_space<vmem>>)
    %dma_start3A_9 = arith.constant 0 : i32
    %dma_start3A_10 = arith.constant 0 : i32
    %dma_start3A_11 = tpu.memref_slice %arg2[%dma_start3A_9, %dma_start3A_10] : memref<6144x1024xf32, #tpu.memory_space<hbm>> -> memref<6144x1024xf32, #tpu.memory_space<hbm>>
    tpu.enqueue_indirect_dma source(%dma_start3A_11 : memref<6144x1024xf32, #tpu.memory_space<hbm>>) target(%arg9 : memref<32x1024xf32, #tpu.memory_space<vmem>>) offsets(%arg7 : memref<32xi32, #tpu.memory_space<vmem>>) semaphore(%arg10 : memref<!tpu.dma_semaphore, #tpu.memory_space<semaphore_mem>>)
    %dma_wait3A_12 = arith.constant 0 : i32
    %dma_wait3A_13 = arith.constant 0 : i32
    %dma_wait3A_14 = tpu.memref_slice %arg2[%dma_wait3A_12, %dma_wait3A_13] : memref<6144x1024xf32, #tpu.memory_space<hbm>> -> memref<6144x1024xf32, #tpu.memory_space<hbm>>
    tpu.wait_indirect_dma semaphore(%arg10 : memref<!tpu.dma_semaphore, #tpu.memory_space<semaphore_mem>>) src(%dma_wait3A_14 : memref<6144x1024xf32, #tpu.memory_space<hbm>>) dst(%arg9 : memref<32x1024xf32, #tpu.memory_space<vmem>>)
    %scan3A = arith.constant 0 : i32
    %scan3A_15 = arith.constant 0 : i32
    %scan3A_16 = arith.constant 32 : i32
    %scan3A_17 = arith.addi %scan3A_15, %scan3A_16 : i32
    %scan3A_18 = arith.constant 1 : i32
    %scan3A_19 = scf.for %scan3A_44 = %scan3A_15 to %scan3A_17 step %scan3A_18 iter_args(%scan3A_45 = %scan3A) -> (i32)  : i32 {
      %scan3A_46 = arith.constant 0 : i32
      %scan3A_47 = arith.constant 0 : i32
      %scan3A_48 = arith.constant 64 : i32
      %scan3A_49 = arith.addi %scan3A_47, %scan3A_48 : i32
      %scan3A_50 = arith.constant 1 : i32
      %scan3A_51 = scf.for %scan3A_53 = %scan3A_47 to %scan3A_49 step %scan3A_50 iter_args(%scan3A_54 = %scan3A_46) -> (i32)  : i32 {
        %mul3A_55 = arith.constant 16 : i32
        %mul3A_56 = arith.muli %scan3A_53, %mul3A_55 : i32
        %get3A = arith.index_cast %scan3A_44 : i32 to index
        %get3A_57 = arith.index_cast %mul3A_56 : i32 to index
        %get3A_58 = tpu.vector_load %arg8[%get3A, %get3A_57] {strides = array<i32>} : memref<32x1024xf32, #tpu.memory_space<vmem>>, vector<1x16xf32>,
        %get3A_59 = vector.shape_cast %get3A_58 : vector<1x16xf32> to vector<16xf32>
        %get3A_60 = arith.index_cast %scan3A_44 : i32 to index
        %get3A_61 = arith.index_cast %mul3A_56 : i32 to index
        %get3A_62 = tpu.vector_load %arg9[%get3A_60, %get3A_61] {strides = array<i32>} : memref<32x1024xf32, #tpu.memory_space<vmem>>, vector<1x16xf32>,
        %get3A_63 = vector.shape_cast %get3A_62 : vector<1x16xf32> to vector<16xf32>
        %add3A_64 = arith.addf %get3A_59, %get3A_63 : vector<16xf32>
        %swap3A = arith.index_cast %scan3A_44 : i32 to index
        %swap3A_65 = arith.index_cast %mul3A_56 : i32 to index
        %swap3A_66 = tpu.vector_load %arg8[%swap3A, %swap3A_65] {strides = array<i32>} : memref<32x1024xf32, #tpu.memory_space<vmem>>, vector<1x16xf32>,
        %swap3A_67 = vector.shape_cast %swap3A_66 : vector<1x16xf32> to vector<16xf32>
        %swap3A_68 = vector.shape_cast %add3A_64 : vector<16xf32> to vector<1x16xf32>
        tpu.vector_store %arg8[%swap3A, %swap3A_65], %swap3A_68 {strides = array<i32>} : memref<32x1024xf32, #tpu.memory_space<vmem>>, vector<1x16xf32>,
        %scan3A_69 = arith.constant 0 : i32
        scf.yield %scan3A_69 : i32
      }
      %scan3A_52 = arith.constant 64 : i32
      scf.yield %scan3A_51 : i32
    }
    %scan3A_20 = arith.constant 32 : i32
    "tpu.region"() ({
      %run_scoped3A = tpu.sem_alloc : memref<!tpu.dma_semaphore, #tpu.memory_space<semaphore_mem>>
      %dma_start3A_44 = arith.constant 0 : i32
      %dma_start3A_45 = tpu.memref_slice %arg5[%add3A_4, %dma_start3A_44] : memref<2048x1024xf32, #tpu.memory_space<hbm>> -> memref<32x1024xf32, #tpu.memory_space<hbm>>
      %dma_start3A_46 = arith.constant 0 : i32
      %dma_start3A_47 = tpu.memref_slice %arg5[%add3A_4, %dma_start3A_46] : memref<2048x1024xf32, #tpu.memory_space<hbm>> -> memref<32x1024xf32, #tpu.memory_space<hbm>>
      tpu.enqueue_dma source(%arg8 : memref<32x1024xf32, #tpu.memory_space<vmem>>) target(%dma_start3A_47 : memref<32x1024xf32, #tpu.memory_space<hbm>>) target_semaphore(%run_scoped3A : memref<!tpu.dma_semaphore, #tpu.memory_space<semaphore_mem>>)
      %dma_wait3A_48 = arith.constant 0 : i32
      %dma_wait3A_49 = tpu.memref_slice %arg5[%add3A_4, %dma_wait3A_48] : memref<2048x1024xf32, #tpu.memory_space<hbm>> -> memref<32x1024xf32, #tpu.memory_space<hbm>>
      %dma_wait3A_50 = arith.constant 0 : i32
      %dma_wait3A_51 = tpu.memref_slice %arg5[%add3A_4, %dma_wait3A_50] : memref<2048x1024xf32, #tpu.memory_space<hbm>> -> memref<32x1024xf32, #tpu.memory_space<hbm>>
      tpu.wait_dma2 semaphore(%run_scoped3A : memref<!tpu.dma_semaphore, #tpu.memory_space<semaphore_mem>>) src(%arg8 : memref<32x1024xf32, #tpu.memory_space<vmem>>) dst(%dma_wait3A_51 : memref<32x1024xf32, #tpu.memory_space<hbm>>)
      tpu.yield
    }) : () -> ()
    %mul3A_21 = arith.constant 64 : i32
    %mul3A_22 = arith.muli %add3A, %mul3A_21 : i32
    %add3A_23 = arith.constant 32 : i32
    %add3A_24 = arith.addi %mul3A_22, %add3A_23 : i32
    "tpu.region"() ({
      %run_scoped3A = tpu.sem_alloc : memref<!tpu.dma_semaphore, #tpu.memory_space<semaphore_mem>>
      %dma_start3A_44 = tpu.memref_slice %arg3[%add3A_24] : memref<2048xi32, #tpu.memory_space<hbm>> -> memref<32xi32, #tpu.memory_space<hbm>>
      %dma_start3A_45 = tpu.memref_slice %arg3[%add3A_24] : memref<2048xi32, #tpu.memory_space<hbm>> -> memref<32xi32, #tpu.memory_space<hbm>>
      tpu.enqueue_dma source(%dma_start3A_45 : memref<32xi32, #tpu.memory_space<hbm>>) target(%arg6 : memref<32xi32, #tpu.memory_space<vmem>>) target_semaphore(%run_scoped3A : memref<!tpu.dma_semaphore, #tpu.memory_space<semaphore_mem>>)
      %dma_wait3A_46 = tpu.memref_slice %arg3[%add3A_24] : memref<2048xi32, #tpu.memory_space<hbm>> -> memref<32xi32, #tpu.memory_space<hbm>>
      %dma_wait3A_47 = tpu.memref_slice %arg3[%add3A_24] : memref<2048xi32, #tpu.memory_space<hbm>> -> memref<32xi32, #tpu.memory_space<hbm>>
      tpu.wait_dma2 semaphore(%run_scoped3A : memref<!tpu.dma_semaphore, #tpu.memory_space<semaphore_mem>>) src(%dma_wait3A_47 : memref<32xi32, #tpu.memory_space<hbm>>) dst(%arg6 : memref<32xi32, #tpu.memory_space<vmem>>)
      tpu.yield
    }) : () -> ()
    "tpu.region"() ({
      %run_scoped3A = tpu.sem_alloc : memref<!tpu.dma_semaphore, #tpu.memory_space<semaphore_mem>>
      %dma_start3A_44 = tpu.memref_slice %arg4[%add3A_24] : memref<2048xi32, #tpu.memory_space<hbm>> -> memref<32xi32, #tpu.memory_space<hbm>>
      %dma_start3A_45 = tpu.memref_slice %arg4[%add3A_24] : memref<2048xi32, #tpu.memory_space<hbm>> -> memref<32xi32, #tpu.memory_space<hbm>>
      tpu.enqueue_dma source(%dma_start3A_45 : memref<32xi32, #tpu.memory_space<hbm>>) target(%arg7 : memref<32xi32, #tpu.memory_space<vmem>>) target_semaphore(%run_scoped3A : memref<!tpu.dma_semaphore, #tpu.memory_space<semaphore_mem>>)
      %dma_wait3A_46 = tpu.memref_slice %arg4[%add3A_24] : memref<2048xi32, #tpu.memory_space<hbm>> -> memref<32xi32, #tpu.memory_space<hbm>>
      %dma_wait3A_47 = tpu.memref_slice %arg4[%add3A_24] : memref<2048xi32, #tpu.memory_space<hbm>> -> memref<32xi32, #tpu.memory_space<hbm>>
      tpu.wait_dma2 semaphore(%run_scoped3A : memref<!tpu.dma_semaphore, #tpu.memory_space<semaphore_mem>>) src(%dma_wait3A_47 : memref<32xi32, #tpu.memory_space<hbm>>) dst(%arg7 : memref<32xi32, #tpu.memory_space<vmem>>)
      tpu.yield
    }) : () -> ()
    %dma_start3A_25 = arith.constant 0 : i32
    %dma_start3A_26 = arith.constant 0 : i32
    %dma_start3A_27 = tpu.memref_slice %arg2[%dma_start3A_25, %dma_start3A_26] : memref<6144x1024xf32, #tpu.memory_space<hbm>> -> memref<6144x1024xf32, #tpu.memory_space<hbm>>
    tpu.enqueue_indirect_dma source(%dma_start3A_27 : memref<6144x1024xf32, #tpu.memory_space<hbm>>) target(%arg8 : memref<32x1024xf32, #tpu.memory_space<vmem>>) offsets(%arg6 : memref<32xi32, #tpu.memory_space<vmem>>) semaphore(%arg10 : memref<!tpu.dma_semaphore, #tpu.memory_space<semaphore_mem>>)
    %dma_wait3A_28 = arith.constant 0 : i32
    %dma_wait3A_29 = arith.constant 0 : i32
    %dma_wait3A_30 = tpu.memref_slice %arg2[%dma_wait3A_28, %dma_wait3A_29] : memref<6144x1024xf32, #tpu.memory_space<hbm>> -> memref<6144x1024xf32, #tpu.memory_space<hbm>>
    tpu.wait_indirect_dma semaphore(%arg10 : memref<!tpu.dma_semaphore, #tpu.memory_space<semaphore_mem>>) src(%dma_wait3A_30 : memref<6144x1024xf32, #tpu.memory_space<hbm>>) dst(%arg8 : memref<32x1024xf32, #tpu.memory_space<vmem>>)
    %dma_start3A_31 = arith.constant 0 : i32
    %dma_start3A_32 = arith.constant 0 : i32
    %dma_start3A_33 = tpu.memref_slice %arg2[%dma_start3A_31, %dma_start3A_32] : memref<6144x1024xf32, #tpu.memory_space<hbm>> -> memref<6144x1024xf32, #tpu.memory_space<hbm>>
    tpu.enqueue_indirect_dma source(%dma_start3A_33 : memref<6144x1024xf32, #tpu.memory_space<hbm>>) target(%arg9 : memref<32x1024xf32, #tpu.memory_space<vmem>>) offsets(%arg7 : memref<32xi32, #tpu.memory_space<vmem>>) semaphore(%arg10 : memref<!tpu.dma_semaphore, #tpu.memory_space<semaphore_mem>>)
    %dma_wait3A_34 = arith.constant 0 : i32
    %dma_wait3A_35 = arith.constant 0 : i32
    %dma_wait3A_36 = tpu.memref_slice %arg2[%dma_wait3A_34, %dma_wait3A_35] : memref<6144x1024xf32, #tpu.memory_space<hbm>> -> memref<6144x1024xf32, #tpu.memory_space<hbm>>
    tpu.wait_indirect_dma semaphore(%arg10 : memref<!tpu.dma_semaphore, #tpu.memory_space<semaphore_mem>>) src(%dma_wait3A_36 : memref<6144x1024xf32, #tpu.memory_space<hbm>>) dst(%arg9 : memref<32x1024xf32, #tpu.memory_space<vmem>>)
    %scan3A_37 = arith.constant 0 : i32
    %scan3A_38 = arith.constant 0 : i32
    %scan3A_39 = arith.constant 32 : i32
    %scan3A_40 = arith.addi %scan3A_38, %scan3A_39 : i32
    %scan3A_41 = arith.constant 1 : i32
    %scan3A_42 = scf.for %scan3A_44 = %scan3A_38 to %scan3A_40 step %scan3A_41 iter_args(%scan3A_45 = %scan3A_37) -> (i32)  : i32 {
      %scan3A_46 = arith.constant 0 : i32
      %scan3A_47 = arith.constant 0 : i32
      %scan3A_48 = arith.constant 64 : i32
      %scan3A_49 = arith.addi %scan3A_47, %scan3A_48 : i32
      %scan3A_50 = arith.constant 1 : i32
      %scan3A_51 = scf.for %scan3A_53 = %scan3A_47 to %scan3A_49 step %scan3A_50 iter_args(%scan3A_54 = %scan3A_46) -> (i32)  : i32 {
        %mul3A_55 = arith.constant 16 : i32
        %mul3A_56 = arith.muli %scan3A_53, %mul3A_55 : i32
        %get3A = arith.index_cast %scan3A_44 : i32 to index
        %get3A_57 = arith.index_cast %mul3A_56 : i32 to index
        %get3A_58 = tpu.vector_load %arg8[%get3A, %get3A_57] {strides = array<i32>} : memref<32x1024xf32, #tpu.memory_space<vmem>>, vector<1x16xf32>,
        %get3A_59 = vector.shape_cast %get3A_58 : vector<1x16xf32> to vector<16xf32>
        %get3A_60 = arith.index_cast %scan3A_44 : i32 to index
        %get3A_61 = arith.index_cast %mul3A_56 : i32 to index
        %get3A_62 = tpu.vector_load %arg9[%get3A_60, %get3A_61] {strides = array<i32>} : memref<32x1024xf32, #tpu.memory_space<vmem>>, vector<1x16xf32>,
        %get3A_63 = vector.shape_cast %get3A_62 : vector<1x16xf32> to vector<16xf32>
        %add3A_64 = arith.addf %get3A_59, %get3A_63 : vector<16xf32>
        %swap3A = arith.index_cast %scan3A_44 : i32 to index
        %swap3A_65 = arith.index_cast %mul3A_56 : i32 to index
        %swap3A_66 = tpu.vector_load %arg8[%swap3A, %swap3A_65] {strides = array<i32>} : memref<32x1024xf32, #tpu.memory_space<vmem>>, vector<1x16xf32>,
        %swap3A_67 = vector.shape_cast %swap3A_66 : vector<1x16xf32> to vector<16xf32>
        %swap3A_68 = vector.shape_cast %add3A_64 : vector<16xf32> to vector<1x16xf32>
        tpu.vector_store %arg8[%swap3A, %swap3A_65], %swap3A_68 {strides = array<i32>} : memref<32x1024xf32, #tpu.memory_space<vmem>>, vector<1x16xf32>,
        %scan3A_69 = arith.constant 0 : i32
        scf.yield %scan3A_69 : i32
      }
      %scan3A_52 = arith.constant 64 : i32
      scf.yield %scan3A_51 : i32
    }
    %scan3A_43 = arith.constant 32 : i32
    "tpu.region"() ({
      %run_scoped3A = tpu.sem_alloc : memref<!tpu.dma_semaphore, #tpu.memory_space<semaphore_mem>>
      %dma_start3A_44 = arith.constant 0 : i32
      %dma_start3A_45 = tpu.memref_slice %arg5[%add3A_24, %dma_start3A_44] : memref<2048x1024xf32, #tpu.memory_space<hbm>> -> memref<32x1024xf32, #tpu.memory_space<hbm>>
      %dma_start3A_46 = arith.constant 0 : i32
      %dma_start3A_47 = tpu.memref_slice %arg5[%add3A_24, %dma_start3A_46] : memref<2048x1024xf32, #tpu.memory_space<hbm>> -> memref<32x1024xf32, #tpu.memory_space<hbm>>
      tpu.enqueue_dma source(%arg8 : memref<32x1024xf32, #tpu.memory_space<vmem>>) target(%dma_start3A_47 : memref<32x1024xf32, #tpu.memory_space<hbm>>) target_semaphore(%run_scoped3A : memref<!tpu.dma_semaphore, #tpu.memory_space<semaphore_mem>>)
      %dma_wait3A_48 = arith.constant 0 : i32
      %dma_wait3A_49 = tpu.memref_slice %arg5[%add3A_24, %dma_wait3A_48] : memref<2048x1024xf32, #tpu.memory_space<hbm>> -> memref<32x1024xf32, #tpu.memory_space<hbm>>
      %dma_wait3A_50 = arith.constant 0 : i32
      %dma_wait3A_51 = tpu.memref_slice %arg5[%add3A_24, %dma_wait3A_50] : memref<2048x1024xf32, #tpu.memory_space<hbm>> -> memref<32x1024xf32, #tpu.memory_space<hbm>>
      tpu.wait_dma2 semaphore(%run_scoped3A : memref<!tpu.dma_semaphore, #tpu.memory_space<semaphore_mem>>) src(%arg8 : memref<32x1024xf32, #tpu.memory_space<vmem>>) dst(%dma_wait3A_51 : memref<32x1024xf32, #tpu.memory_space<hbm>>)
      tpu.yield
    }) : () -> ()
    return
  }
}

#map = affine_map<(d0, d1) -> (0, 0)>
#map1 = affine_map<(d0, d1) -> (0)>
module attributes {stable_mosaic.version = 14 : i64} {
  func.func @_dispatch_body(%arg0: i32, %arg1: i32, %arg2: memref<2048x1024xf32, #tpu.memory_space<hbm>>, %arg3: memref<2048xi32, #tpu.memory_space<hbm>>, %arg4: memref<2048xi32, #tpu.memory_space<hbm>>, %arg5: memref<2048x128xf32, #tpu.memory_space<hbm>>, %arg6: memref<2048x128xf32, #tpu.memory_space<hbm>>, %arg7: memref<6144x1024xf32, #tpu.memory_space<hbm>>, %arg8: memref<6144x128xf32, #tpu.memory_space<hbm>>, %arg9: memref<64xi32, #tpu.memory_space<vmem>>, %arg10: memref<64xi32, #tpu.memory_space<vmem>>, %arg11: memref<64x1024xf32, #tpu.memory_space<vmem>>, %arg12: memref<64x128xf32, #tpu.memory_space<vmem>>, %arg13: memref<64x128xf32, #tpu.memory_space<vmem>>, %arg14: memref<!tpu.dma_semaphore, #tpu.memory_space<semaphore_mem>>) attributes {dimension_semantics = [#tpu.dimension_semantics<core_parallel>, #tpu.dimension_semantics<subcore_parallel>], iteration_bounds = array<i64: 2, 16>, scalar_prefetch = 0 : i64, scratch_operands = 6 : i64, tpu.core_type = #tpu.core_type<sc_vector_subcore>, window_params = [{transform_indices = #map}, {transform_indices = #map1}, {transform_indices = #map1}, {transform_indices = #map}, {transform_indices = #map}, {transform_indices = #map}, {transform_indices = #map}]} {
    %mul3A = arith.constant 2 : i32
    %mul3A_0 = arith.muli %arg1, %mul3A : i32
    %add3A = arith.addi %mul3A_0, %arg0 : i32
    %mul3A_1 = arith.constant 64 : i32
    %mul3A_2 = arith.muli %add3A, %mul3A_1 : i32
    "tpu.region"() ({
      %run_scoped3A = tpu.sem_alloc : memref<!tpu.dma_semaphore, #tpu.memory_space<semaphore_mem>>
      %dma_start3A_25 = tpu.memref_slice %arg3[%mul3A_2] : memref<2048xi32, #tpu.memory_space<hbm>> -> memref<64xi32, #tpu.memory_space<hbm>>
      %dma_start3A_26 = tpu.memref_slice %arg3[%mul3A_2] : memref<2048xi32, #tpu.memory_space<hbm>> -> memref<64xi32, #tpu.memory_space<hbm>>
      tpu.enqueue_dma source(%dma_start3A_26 : memref<64xi32, #tpu.memory_space<hbm>>) target(%arg9 : memref<64xi32, #tpu.memory_space<vmem>>) target_semaphore(%run_scoped3A : memref<!tpu.dma_semaphore, #tpu.memory_space<semaphore_mem>>)
      %dma_wait3A_27 = tpu.memref_slice %arg3[%mul3A_2] : memref<2048xi32, #tpu.memory_space<hbm>> -> memref<64xi32, #tpu.memory_space<hbm>>
      %dma_wait3A_28 = tpu.memref_slice %arg3[%mul3A_2] : memref<2048xi32, #tpu.memory_space<hbm>> -> memref<64xi32, #tpu.memory_space<hbm>>
      tpu.wait_dma2 semaphore(%run_scoped3A : memref<!tpu.dma_semaphore, #tpu.memory_space<semaphore_mem>>) src(%dma_wait3A_28 : memref<64xi32, #tpu.memory_space<hbm>>) dst(%arg9 : memref<64xi32, #tpu.memory_space<vmem>>)
      tpu.yield
    }) : () -> ()
    "tpu.region"() ({
      %run_scoped3A = tpu.sem_alloc : memref<!tpu.dma_semaphore, #tpu.memory_space<semaphore_mem>>
      %dma_start3A_25 = tpu.memref_slice %arg4[%mul3A_2] : memref<2048xi32, #tpu.memory_space<hbm>> -> memref<64xi32, #tpu.memory_space<hbm>>
      %dma_start3A_26 = tpu.memref_slice %arg4[%mul3A_2] : memref<2048xi32, #tpu.memory_space<hbm>> -> memref<64xi32, #tpu.memory_space<hbm>>
      tpu.enqueue_dma source(%dma_start3A_26 : memref<64xi32, #tpu.memory_space<hbm>>) target(%arg10 : memref<64xi32, #tpu.memory_space<vmem>>) target_semaphore(%run_scoped3A : memref<!tpu.dma_semaphore, #tpu.memory_space<semaphore_mem>>)
      %dma_wait3A_27 = tpu.memref_slice %arg4[%mul3A_2] : memref<2048xi32, #tpu.memory_space<hbm>> -> memref<64xi32, #tpu.memory_space<hbm>>
      %dma_wait3A_28 = tpu.memref_slice %arg4[%mul3A_2] : memref<2048xi32, #tpu.memory_space<hbm>> -> memref<64xi32, #tpu.memory_space<hbm>>
      tpu.wait_dma2 semaphore(%run_scoped3A : memref<!tpu.dma_semaphore, #tpu.memory_space<semaphore_mem>>) src(%dma_wait3A_28 : memref<64xi32, #tpu.memory_space<hbm>>) dst(%arg10 : memref<64xi32, #tpu.memory_space<vmem>>)
      tpu.yield
    }) : () -> ()
    "tpu.region"() ({
      %run_scoped3A = tpu.sem_alloc : memref<!tpu.dma_semaphore, #tpu.memory_space<semaphore_mem>>
      %dma_start3A_25 = arith.constant 0 : i32
      %dma_start3A_26 = tpu.memref_slice %arg2[%mul3A_2, %dma_start3A_25] : memref<2048x1024xf32, #tpu.memory_space<hbm>> -> memref<64x1024xf32, #tpu.memory_space<hbm>>
      %dma_start3A_27 = arith.constant 0 : i32
      %dma_start3A_28 = tpu.memref_slice %arg2[%mul3A_2, %dma_start3A_27] : memref<2048x1024xf32, #tpu.memory_space<hbm>> -> memref<64x1024xf32, #tpu.memory_space<hbm>>
      tpu.enqueue_dma source(%dma_start3A_28 : memref<64x1024xf32, #tpu.memory_space<hbm>>) target(%arg11 : memref<64x1024xf32, #tpu.memory_space<vmem>>) target_semaphore(%run_scoped3A : memref<!tpu.dma_semaphore, #tpu.memory_space<semaphore_mem>>)
      %dma_wait3A_29 = arith.constant 0 : i32
      %dma_wait3A_30 = tpu.memref_slice %arg2[%mul3A_2, %dma_wait3A_29] : memref<2048x1024xf32, #tpu.memory_space<hbm>> -> memref<64x1024xf32, #tpu.memory_space<hbm>>
      %dma_wait3A_31 = arith.constant 0 : i32
      %dma_wait3A_32 = tpu.memref_slice %arg2[%mul3A_2, %dma_wait3A_31] : memref<2048x1024xf32, #tpu.memory_space<hbm>> -> memref<64x1024xf32, #tpu.memory_space<hbm>>
      tpu.wait_dma2 semaphore(%run_scoped3A : memref<!tpu.dma_semaphore, #tpu.memory_space<semaphore_mem>>) src(%dma_wait3A_32 : memref<64x1024xf32, #tpu.memory_space<hbm>>) dst(%arg11 : memref<64x1024xf32, #tpu.memory_space<vmem>>)
      tpu.yield
    }) : () -> ()
    "tpu.region"() ({
      %run_scoped3A = tpu.sem_alloc : memref<!tpu.dma_semaphore, #tpu.memory_space<semaphore_mem>>
      %dma_start3A_25 = arith.constant 0 : i32
      %dma_start3A_26 = tpu.memref_slice %arg5[%mul3A_2, %dma_start3A_25] : memref<2048x128xf32, #tpu.memory_space<hbm>> -> memref<64x128xf32, #tpu.memory_space<hbm>>
      %dma_start3A_27 = arith.constant 0 : i32
      %dma_start3A_28 = tpu.memref_slice %arg5[%mul3A_2, %dma_start3A_27] : memref<2048x128xf32, #tpu.memory_space<hbm>> -> memref<64x128xf32, #tpu.memory_space<hbm>>
      tpu.enqueue_dma source(%dma_start3A_28 : memref<64x128xf32, #tpu.memory_space<hbm>>) target(%arg12 : memref<64x128xf32, #tpu.memory_space<vmem>>) target_semaphore(%run_scoped3A : memref<!tpu.dma_semaphore, #tpu.memory_space<semaphore_mem>>)
      %dma_wait3A_29 = arith.constant 0 : i32
      %dma_wait3A_30 = tpu.memref_slice %arg5[%mul3A_2, %dma_wait3A_29] : memref<2048x128xf32, #tpu.memory_space<hbm>> -> memref<64x128xf32, #tpu.memory_space<hbm>>
      %dma_wait3A_31 = arith.constant 0 : i32
      %dma_wait3A_32 = tpu.memref_slice %arg5[%mul3A_2, %dma_wait3A_31] : memref<2048x128xf32, #tpu.memory_space<hbm>> -> memref<64x128xf32, #tpu.memory_space<hbm>>
      tpu.wait_dma2 semaphore(%run_scoped3A : memref<!tpu.dma_semaphore, #tpu.memory_space<semaphore_mem>>) src(%dma_wait3A_32 : memref<64x128xf32, #tpu.memory_space<hbm>>) dst(%arg12 : memref<64x128xf32, #tpu.memory_space<vmem>>)
      tpu.yield
    }) : () -> ()
    "tpu.region"() ({
      %run_scoped3A = tpu.sem_alloc : memref<!tpu.dma_semaphore, #tpu.memory_space<semaphore_mem>>
      %dma_start3A_25 = arith.constant 0 : i32
      %dma_start3A_26 = tpu.memref_slice %arg6[%mul3A_2, %dma_start3A_25] : memref<2048x128xf32, #tpu.memory_space<hbm>> -> memref<64x128xf32, #tpu.memory_space<hbm>>
      %dma_start3A_27 = arith.constant 0 : i32
      %dma_start3A_28 = tpu.memref_slice %arg6[%mul3A_2, %dma_start3A_27] : memref<2048x128xf32, #tpu.memory_space<hbm>> -> memref<64x128xf32, #tpu.memory_space<hbm>>
      tpu.enqueue_dma source(%dma_start3A_28 : memref<64x128xf32, #tpu.memory_space<hbm>>) target(%arg13 : memref<64x128xf32, #tpu.memory_space<vmem>>) target_semaphore(%run_scoped3A : memref<!tpu.dma_semaphore, #tpu.memory_space<semaphore_mem>>)
      %dma_wait3A_29 = arith.constant 0 : i32
      %dma_wait3A_30 = tpu.memref_slice %arg6[%mul3A_2, %dma_wait3A_29] : memref<2048x128xf32, #tpu.memory_space<hbm>> -> memref<64x128xf32, #tpu.memory_space<hbm>>
      %dma_wait3A_31 = arith.constant 0 : i32
      %dma_wait3A_32 = tpu.memref_slice %arg6[%mul3A_2, %dma_wait3A_31] : memref<2048x128xf32, #tpu.memory_space<hbm>> -> memref<64x128xf32, #tpu.memory_space<hbm>>
      tpu.wait_dma2 semaphore(%run_scoped3A : memref<!tpu.dma_semaphore, #tpu.memory_space<semaphore_mem>>) src(%dma_wait3A_32 : memref<64x128xf32, #tpu.memory_space<hbm>>) dst(%arg13 : memref<64x128xf32, #tpu.memory_space<vmem>>)
      tpu.yield
    }) : () -> ()
    %dma_start3A = arith.constant 0 : i32
    %dma_start3A_3 = arith.constant 0 : i32
    %dma_start3A_4 = tpu.memref_slice %arg7[%dma_start3A, %dma_start3A_3] : memref<6144x1024xf32, #tpu.memory_space<hbm>> -> memref<6144x1024xf32, #tpu.memory_space<hbm>>
    tpu.enqueue_indirect_dma source(%arg11 : memref<64x1024xf32, #tpu.memory_space<vmem>>) target(%dma_start3A_4 : memref<6144x1024xf32, #tpu.memory_space<hbm>>) offsets(%arg9 : memref<64xi32, #tpu.memory_space<vmem>>) semaphore(%arg14 : memref<!tpu.dma_semaphore, #tpu.memory_space<semaphore_mem>>)
    %dma_wait3A = arith.constant 0 : i32
    %dma_wait3A_5 = arith.constant 0 : i32
    %dma_wait3A_6 = tpu.memref_slice %arg7[%dma_wait3A, %dma_wait3A_5] : memref<6144x1024xf32, #tpu.memory_space<hbm>> -> memref<6144x1024xf32, #tpu.memory_space<hbm>>
    tpu.wait_indirect_dma semaphore(%arg14 : memref<!tpu.dma_semaphore, #tpu.memory_space<semaphore_mem>>) src(%arg11 : memref<64x1024xf32, #tpu.memory_space<vmem>>) dst(%dma_wait3A_6 : memref<6144x1024xf32, #tpu.memory_space<hbm>>)
    %dma_start3A_7 = arith.constant 0 : i32
    %dma_start3A_8 = arith.constant 0 : i32
    %dma_start3A_9 = tpu.memref_slice %arg7[%dma_start3A_7, %dma_start3A_8] : memref<6144x1024xf32, #tpu.memory_space<hbm>> -> memref<6144x1024xf32, #tpu.memory_space<hbm>>
    tpu.enqueue_indirect_dma source(%arg11 : memref<64x1024xf32, #tpu.memory_space<vmem>>) target(%dma_start3A_9 : memref<6144x1024xf32, #tpu.memory_space<hbm>>) offsets(%arg10 : memref<64xi32, #tpu.memory_space<vmem>>) semaphore(%arg14 : memref<!tpu.dma_semaphore, #tpu.memory_space<semaphore_mem>>)
    %dma_wait3A_10 = arith.constant 0 : i32
    %dma_wait3A_11 = arith.constant 0 : i32
    %dma_wait3A_12 = tpu.memref_slice %arg7[%dma_wait3A_10, %dma_wait3A_11] : memref<6144x1024xf32, #tpu.memory_space<hbm>> -> memref<6144x1024xf32, #tpu.memory_space<hbm>>
    tpu.wait_indirect_dma semaphore(%arg14 : memref<!tpu.dma_semaphore, #tpu.memory_space<semaphore_mem>>) src(%arg11 : memref<64x1024xf32, #tpu.memory_space<vmem>>) dst(%dma_wait3A_12 : memref<6144x1024xf32, #tpu.memory_space<hbm>>)
    %dma_start3A_13 = arith.constant 0 : i32
    %dma_start3A_14 = arith.constant 0 : i32
    %dma_start3A_15 = tpu.memref_slice %arg8[%dma_start3A_13, %dma_start3A_14] : memref<6144x128xf32, #tpu.memory_space<hbm>> -> memref<6144x128xf32, #tpu.memory_space<hbm>>
    tpu.enqueue_indirect_dma source(%arg12 : memref<64x128xf32, #tpu.memory_space<vmem>>) target(%dma_start3A_15 : memref<6144x128xf32, #tpu.memory_space<hbm>>) offsets(%arg9 : memref<64xi32, #tpu.memory_space<vmem>>) semaphore(%arg14 : memref<!tpu.dma_semaphore, #tpu.memory_space<semaphore_mem>>)
    %dma_wait3A_16 = arith.constant 0 : i32
    %dma_wait3A_17 = arith.constant 0 : i32
    %dma_wait3A_18 = tpu.memref_slice %arg8[%dma_wait3A_16, %dma_wait3A_17] : memref<6144x128xf32, #tpu.memory_space<hbm>> -> memref<6144x128xf32, #tpu.memory_space<hbm>>
    tpu.wait_indirect_dma semaphore(%arg14 : memref<!tpu.dma_semaphore, #tpu.memory_space<semaphore_mem>>) src(%arg12 : memref<64x128xf32, #tpu.memory_space<vmem>>) dst(%dma_wait3A_18 : memref<6144x128xf32, #tpu.memory_space<hbm>>)
    %dma_start3A_19 = arith.constant 0 : i32
    %dma_start3A_20 = arith.constant 0 : i32
    %dma_start3A_21 = tpu.memref_slice %arg8[%dma_start3A_19, %dma_start3A_20] : memref<6144x128xf32, #tpu.memory_space<hbm>> -> memref<6144x128xf32, #tpu.memory_space<hbm>>
    tpu.enqueue_indirect_dma source(%arg13 : memref<64x128xf32, #tpu.memory_space<vmem>>) target(%dma_start3A_21 : memref<6144x128xf32, #tpu.memory_space<hbm>>) offsets(%arg10 : memref<64xi32, #tpu.memory_space<vmem>>) semaphore(%arg14 : memref<!tpu.dma_semaphore, #tpu.memory_space<semaphore_mem>>)
    %dma_wait3A_22 = arith.constant 0 : i32
    %dma_wait3A_23 = arith.constant 0 : i32
    %dma_wait3A_24 = tpu.memref_slice %arg8[%dma_wait3A_22, %dma_wait3A_23] : memref<6144x128xf32, #tpu.memory_space<hbm>> -> memref<6144x128xf32, #tpu.memory_space<hbm>>
    tpu.wait_indirect_dma semaphore(%arg14 : memref<!tpu.dma_semaphore, #tpu.memory_space<semaphore_mem>>) src(%arg13 : memref<64x128xf32, #tpu.memory_space<vmem>>) dst(%dma_wait3A_24 : memref<6144x128xf32, #tpu.memory_space<hbm>>)
    return
  }
}

module attributes {stable_mosaic.version = 14 : i64} {
  func.func @_up_body(%arg0: i32, %arg1: i32, %arg2: memref<24xi32, #tpu.memory_space<smem>>, %arg3: memref<256x1024xf32, #tpu.memory_space<vmem>>, %arg4: memref<1x1024x1024xf32, #tpu.memory_space<vmem>>, %arg5: memref<1x1024x1024xf32, #tpu.memory_space<vmem>>, %arg6: memref<256x1024xf32, #tpu.memory_space<vmem>>) attributes {dimension_semantics = [#tpu.dimension_semantics<arbitrary>, #tpu.dimension_semantics<arbitrary>], iteration_bounds = array<i64: 2, 24>, scalar_prefetch = 1 : i64, scratch_operands = 0 : i64, tpu.core_type = #tpu.core_type<tc>, window_params = [{transform_indices = @transform_0, window_bounds = array<i64: 256, 1024>}, {transform_indices = @transform_1, window_bounds = array<i64: 1, 1024, 1024>}, {transform_indices = @transform_2, window_bounds = array<i64: 1, 1024, 1024>}, {transform_indices = @transform_3, window_bounds = array<i64: 256, 1024>}]} {
    %get3A = arith.constant 0 : index
    %get3A_0 = arith.constant 0 : index
    %get3A_1 = vector.load %arg3[%get3A, %get3A_0] : memref<256x1024xf32, #tpu.memory_space<vmem>>, vector<256x1024xf32>
    %get3A_2 = arith.constant 0 : index
    %get3A_3 = arith.constant 0 : index
    %get3A_4 = arith.constant 0 : index
    %get3A_5 = vector.load %arg4[%get3A_2, %get3A_3, %get3A_4] : memref<1x1024x1024xf32, #tpu.memory_space<vmem>>, vector<1x1024x1024xf32>
    %get3A_6 = vector.shape_cast %get3A_5 : vector<1x1024x1024xf32> to vector<1024x1024xf32>
    %dot_general3A = arith.constant dense<0.000000e+00> : vector<256x1024xf32>
    %dot_general3A_7 = tpu.matmul %get3A_1, %get3A_6, %dot_general3A {dimension_numbers = #tpu.dot_dimension_numbers<[1], [1], [0], [0], [0, 0, 1, 0], [], []>, transpose_lhs_hint = false} : vector<256x1024xf32>, vector<1024x1024xf32>, vector<256x1024xf32> -> vector<256x1024xf32>
    %get3A_8 = arith.constant 0 : index
    %get3A_9 = arith.constant 0 : index
    %get3A_10 = arith.constant 0 : index
    %get3A_11 = vector.load %arg5[%get3A_8, %get3A_9, %get3A_10] : memref<1x1024x1024xf32, #tpu.memory_space<vmem>>, vector<1x1024x1024xf32>
    %get3A_12 = vector.shape_cast %get3A_11 : vector<1x1024x1024xf32> to vector<1024x1024xf32>
    %dot_general3A_13 = arith.constant dense<0.000000e+00> : vector<256x1024xf32>
    %dot_general3A_14 = tpu.matmul %get3A_1, %get3A_12, %dot_general3A_13 {dimension_numbers = #tpu.dot_dimension_numbers<[1], [1], [0], [0], [0, 0, 1, 0], [], []>, transpose_lhs_hint = false} : vector<256x1024xf32>, vector<1024x1024xf32>, vector<256x1024xf32> -> vector<256x1024xf32>
    %logistic3A = arith.negf %dot_general3A_7 : vector<256x1024xf32>
    %logistic3A_15 = math.exp %logistic3A : vector<256x1024xf32>
    %logistic3A_16 = arith.constant 1.000000e+00 : f32
    %logistic3A_17 = vector.broadcast %logistic3A_16 : f32 to vector<256x1024xf32>
    %logistic3A_18 = arith.addf %logistic3A_17, %logistic3A_15 : vector<256x1024xf32>
    %logistic3A_19 = arith.divf %logistic3A_17, %logistic3A_18 : vector<256x1024xf32>
    %mul3A = arith.mulf %dot_general3A_7, %logistic3A_19 : vector<256x1024xf32>
    %mul3A_20 = arith.mulf %mul3A, %dot_general3A_14 : vector<256x1024xf32>
    %swap3A = arith.constant 0 : index
    %swap3A_21 = arith.constant 0 : index
    %swap3A_22 = vector.load %arg6[%swap3A, %swap3A_21] : memref<256x1024xf32, #tpu.memory_space<vmem>>, vector<256x1024xf32>
    tpu.vector_store %arg6[%swap3A, %swap3A_21], %mul3A_20 {strides = array<i32>} : memref<256x1024xf32, #tpu.memory_space<vmem>>, vector<256x1024xf32>,
    return
  }
  func.func @transform_0(%arg0: i32, %arg1: i32, %arg2: memref<24xi32, #tpu.memory_space<smem>>) -> (i32, i32) {
    %c0_i32 = arith.constant 0 : i32
    %c0_i32_0 = arith.constant 0 : i32
    return %arg1, %c0_i32 : i32, i32
  }
  func.func @transform_1(%arg0: i32, %arg1: i32, %arg2: memref<24xi32, #tpu.memory_space<smem>>) -> (i32, i32, i32) {
    %get3A = arith.index_cast %arg1 : i32 to index
    %get3A_0 = memref.load %arg2[%get3A] : memref<24xi32, #tpu.memory_space<smem>>
    %c0_i32 = arith.constant 0 : i32
    %c0_i32_1 = arith.constant 0 : i32
    return %get3A_0, %arg0, %c0_i32 : i32, i32, i32
  }
  func.func @transform_2(%arg0: i32, %arg1: i32, %arg2: memref<24xi32, #tpu.memory_space<smem>>) -> (i32, i32, i32) {
    %get3A = arith.index_cast %arg1 : i32 to index
    %get3A_0 = memref.load %arg2[%get3A] : memref<24xi32, #tpu.memory_space<smem>>
    %c0_i32 = arith.constant 0 : i32
    %c0_i32_1 = arith.constant 0 : i32
    return %get3A_0, %arg0, %c0_i32 : i32, i32, i32
  }
  func.func @transform_3(%arg0: i32, %arg1: i32, %arg2: memref<24xi32, #tpu.memory_space<smem>>) -> (i32, i32) {
    %c0_i32 = arith.constant 0 : i32
    return %arg1, %arg0 : i32, i32
  }
}

module attributes {stable_mosaic.version = 14 : i64} {
  func.func @_router_body(%arg0: memref<2048x1024xf32, #tpu.memory_space<vmem>>, %arg1: memref<8x1024xf32, #tpu.memory_space<vmem>>, %arg2: memref<2048x1xi32, #tpu.memory_space<vmem>>, %arg3: memref<2048x1xi32, #tpu.memory_space<vmem>>, %arg4: memref<2048x128xf32, #tpu.memory_space<vmem>>, %arg5: memref<2048x128xf32, #tpu.memory_space<vmem>>, %arg6: memref<128x1xi32, #tpu.memory_space<vmem>>) attributes {dimension_semantics = [], scalar_prefetch = 0 : i64, scratch_operands = 0 : i64, tpu.core_type = #tpu.core_type<tc>} {
    %get3A = arith.constant 0 : index
    %get3A_0 = arith.constant 0 : index
    %get3A_1 = vector.load %arg0[%get3A, %get3A_0] : memref<2048x1024xf32, #tpu.memory_space<vmem>>, vector<2048x1024xf32>
    %get3A_2 = arith.constant 0 : index
    %get3A_3 = arith.constant 0 : index
    %get3A_4 = vector.load %arg1[%get3A_2, %get3A_3] : memref<8x1024xf32, #tpu.memory_space<vmem>>, vector<8x1024xf32>
    %dot_general3A = arith.constant dense<0.000000e+00> : vector<2048x8xf32>
    %dot_general3A_5 = tpu.matmul %get3A_1, %get3A_4, %dot_general3A {dimension_numbers = #tpu.dot_dimension_numbers<[1], [1], [0], [0], [0, 0, 1, 0], [], []>, transpose_lhs_hint = false} : vector<2048x1024xf32>, vector<8x1024xf32>, vector<2048x8xf32> -> vector<2048x8xf32>
    %reduce_max3A = arith.constant dense<0xFF800000> : vector<2048xf32>
    %reduce_max3A_6 = vector.multi_reduction <maximumf>, %dot_general3A_5, %reduce_max3A [1] : vector<2048x8xf32> to vector<2048xf32>
    %broadcast_in_dim3A = vector.shape_cast %reduce_max3A_6 : vector<2048xf32> to vector<2048x1xf32>
    %sub3A = vector.broadcast %broadcast_in_dim3A : vector<2048x1xf32> to vector<2048x8xf32>
    %sub3A_7 = arith.subf %dot_general3A_5, %sub3A : vector<2048x8xf32>
    %exp3A = math.exp %sub3A_7 : vector<2048x8xf32>
    %reduce_sum3A = arith.constant dense<0.000000e+00> : vector<2048xf32>
    %reduce_sum3A_8 = vector.multi_reduction <add>, %exp3A, %reduce_sum3A [1] : vector<2048x8xf32> to vector<2048xf32>
    %broadcast_in_dim3A_9 = vector.shape_cast %reduce_sum3A_8 : vector<2048xf32> to vector<2048x1xf32>
    %div3A = vector.broadcast %broadcast_in_dim3A_9 : vector<2048x1xf32> to vector<2048x8xf32>
    %div3A_10 = arith.divf %exp3A, %div3A : vector<2048x8xf32>
    %iota3A = tpu.iota {dimensions = array<i32: 1>} : vector<2048x8xi32>
    %reduce_max3A_11 = arith.constant dense<0xFF800000> : vector<2048xf32>
    %reduce_max3A_12 = vector.multi_reduction <maximumf>, %div3A_10, %reduce_max3A_11 [1] : vector<2048x8xf32> to vector<2048xf32>
    %broadcast_in_dim3A_13 = vector.shape_cast %reduce_max3A_12 : vector<2048xf32> to vector<2048x1xf32>
    %ge3A = vector.broadcast %broadcast_in_dim3A_13 : vector<2048x1xf32> to vector<2048x8xf32>
    %ge3A_14 = arith.cmpf oge, %div3A_10, %ge3A : vector<2048x8xf32>
    %jit3A = arith.constant 8 : i32
    %broadcast_in_dim3A_15 = vector.broadcast %jit3A : i32 to vector<2048x8xi32>
    %select_n3A = arith.select %ge3A_14, %iota3A, %broadcast_in_dim3A_15 : vector<2048x8xi1>, vector<2048x8xi32>
    %reduce_min3A = arith.constant dense<2147483647> : vector<2048xi32>
    %reduce_min3A_16 = vector.multi_reduction <minsi>, %select_n3A, %reduce_min3A [1] : vector<2048x8xi32> to vector<2048xi32>
    %broadcast_in_dim3A_17 = vector.shape_cast %reduce_min3A_16 : vector<2048xi32> to vector<2048x1xi32>
    %eq3A = vector.broadcast %broadcast_in_dim3A_17 : vector<2048x1xi32> to vector<2048x8xi32>
    %eq3A_18 = arith.cmpi eq, %iota3A, %eq3A : vector<2048x8xi32>
    %jit3A_19 = arith.constant -1.000000e+00 : f32
    %broadcast_in_dim3A_20 = vector.broadcast %jit3A_19 : f32 to vector<2048x8xf32>
    %select_n3A_21 = arith.select %eq3A_18, %broadcast_in_dim3A_20, %div3A_10 : vector<2048x8xi1>, vector<2048x8xf32>
    %reduce_max3A_22 = arith.constant dense<0xFF800000> : vector<2048xf32>
    %reduce_max3A_23 = vector.multi_reduction <maximumf>, %select_n3A_21, %reduce_max3A_22 [1] : vector<2048x8xf32> to vector<2048xf32>
    %broadcast_in_dim3A_24 = vector.shape_cast %reduce_max3A_23 : vector<2048xf32> to vector<2048x1xf32>
    %ge3A_25 = vector.broadcast %broadcast_in_dim3A_24 : vector<2048x1xf32> to vector<2048x8xf32>
    %ge3A_26 = arith.cmpf oge, %select_n3A_21, %ge3A_25 : vector<2048x8xf32>
    %jit3A_27 = arith.constant 8 : i32
    %broadcast_in_dim3A_28 = vector.broadcast %jit3A_27 : i32 to vector<2048x8xi32>
    %select_n3A_29 = arith.select %ge3A_26, %iota3A, %broadcast_in_dim3A_28 : vector<2048x8xi1>, vector<2048x8xi32>
    %reduce_min3A_30 = arith.constant dense<2147483647> : vector<2048xi32>
    %reduce_min3A_31 = vector.multi_reduction <minsi>, %select_n3A_29, %reduce_min3A_30 [1] : vector<2048x8xi32> to vector<2048xi32>
    %broadcast_in_dim3A_32 = vector.shape_cast %reduce_min3A_31 : vector<2048xi32> to vector<2048x1xi32>
    %eq3A_33 = vector.broadcast %broadcast_in_dim3A_32 : vector<2048x1xi32> to vector<2048x8xi32>
    %eq3A_34 = arith.cmpi eq, %iota3A, %eq3A_33 : vector<2048x8xi32>
    %add3A = arith.addf %broadcast_in_dim3A_13, %broadcast_in_dim3A_24 : vector<2048x1xf32>
    %div3A_35 = arith.divf %broadcast_in_dim3A_13, %add3A : vector<2048x1xf32>
    %div3A_36 = arith.divf %broadcast_in_dim3A_24, %add3A : vector<2048x1xf32>
    %convert_element_type3A = arith.extui %eq3A_18 : vector<2048x8xi1> to vector<2048x8xi32>
    %convert_element_type3A_37 = arith.sitofp %convert_element_type3A : vector<2048x8xi32> to vector<2048x8xf32>
    %convert_element_type3A_38 = arith.extui %eq3A_34 : vector<2048x8xi1> to vector<2048x8xi32>
    %convert_element_type3A_39 = arith.sitofp %convert_element_type3A_38 : vector<2048x8xi32> to vector<2048x8xf32>
    %reduce_sum3A_40 = arith.constant dense<0.000000e+00> : vector<8xf32>
    %reduce_sum3A_41 = vector.multi_reduction <add>, %convert_element_type3A_37, %reduce_sum3A_40 [0] : vector<2048x8xf32> to vector<8xf32>
    %broadcast_in_dim3A_42 = vector.shape_cast %reduce_sum3A_41 : vector<8xf32> to vector<1x8xf32>
    %reduce_sum3A_43 = arith.constant dense<0.000000e+00> : vector<8xf32>
    %reduce_sum3A_44 = vector.multi_reduction <add>, %convert_element_type3A_39, %reduce_sum3A_43 [0] : vector<2048x8xf32> to vector<8xf32>
    %broadcast_in_dim3A_45 = vector.shape_cast %reduce_sum3A_44 : vector<8xf32> to vector<1x8xf32>
    %add3A_46 = arith.addf %broadcast_in_dim3A_42, %broadcast_in_dim3A_45 : vector<1x8xf32>
    %convert_element_type3A_47 = arith.fptosi %add3A_46 : vector<1x8xf32> to vector<1x8xi32>
    %add3A_48 = arith.constant 256 : i32
    %add3A_49 = vector.broadcast %add3A_48 : i32 to vector<1x8xi32>
    %add3A_50 = arith.addi %convert_element_type3A_47, %add3A_49 : vector<1x8xi32>
    %sub3A_51 = arith.constant 1 : i32
    %sub3A_52 = vector.broadcast %sub3A_51 : i32 to vector<1x8xi32>
    %sub3A_53 = arith.subi %add3A_50, %sub3A_52 : vector<1x8xi32>
    %jit3A_54 = arith.constant 256 : i32
    %div3A_55 = vector.broadcast %jit3A_54 : i32 to vector<1x8xi32>
    %div3A_56 = arith.divsi %sub3A_53, %div3A_55 : vector<1x8xi32>
    %sign3A = arith.constant 0 : i32
    %sign3A_57 = vector.broadcast %sign3A : i32 to vector<1x8xi32>
    %sign3A_58 = arith.cmpi sgt, %sub3A_53, %sign3A_57 : vector<1x8xi32>
    %sign3A_59 = arith.extui %sign3A_58 : vector<1x8xi1> to vector<1x8xi32>
    %sign3A_60 = arith.constant 0 : i32
    %sign3A_61 = vector.broadcast %sign3A_60 : i32 to vector<1x8xi32>
    %sign3A_62 = arith.cmpi slt, %sub3A_53, %sign3A_61 : vector<1x8xi32>
    %sign3A_63 = arith.extui %sign3A_62 : vector<1x8xi1> to vector<1x8xi32>
    %sign3A_64 = arith.subi %sign3A_59, %sign3A_63 : vector<1x8xi32>
    %sign3A_65 = arith.constant 0 : i32
    %sign3A_66 = arith.cmpi sgt, %jit3A_54, %sign3A_65 : i32
    %sign3A_67 = arith.extui %sign3A_66 : i1 to i32
    %sign3A_68 = arith.constant 0 : i32
    %sign3A_69 = arith.cmpi slt, %jit3A_54, %sign3A_68 : i32
    %sign3A_70 = arith.extui %sign3A_69 : i1 to i32
    %sign3A_71 = arith.subi %sign3A_67, %sign3A_70 : i32
    %ne3A = vector.broadcast %sign3A_71 : i32 to vector<1x8xi32>
    %ne3A_72 = arith.cmpi ne, %sign3A_64, %ne3A : vector<1x8xi32>
    %rem3A = vector.broadcast %jit3A_54 : i32 to vector<1x8xi32>
    %rem3A_73 = arith.remsi %sub3A_53, %rem3A : vector<1x8xi32>
    %ne3A_74 = arith.constant 0 : i32
    %ne3A_75 = vector.broadcast %ne3A_74 : i32 to vector<1x8xi32>
    %ne3A_76 = arith.cmpi ne, %rem3A_73, %ne3A_75 : vector<1x8xi32>
    %and3A = arith.andi %ne3A_72, %ne3A_76 : vector<1x8xi1>
    %sub3A_77 = arith.constant 1 : i32
    %sub3A_78 = vector.broadcast %sub3A_77 : i32 to vector<1x8xi32>
    %sub3A_79 = arith.subi %div3A_56, %sub3A_78 : vector<1x8xi32>
    %select_n3A_80 = arith.select %and3A, %sub3A_79, %div3A_56 : vector<1x8xi1>, vector<1x8xi32>
    %iota3A_81 = tpu.iota {dimensions = array<i32: 0>} : vector<8x8xi32>
    %iota3A_82 = tpu.iota {dimensions = array<i32: 1>} : vector<8x8xi32>
    %lt3A = arith.cmpi slt, %iota3A_81, %iota3A_82 : vector<8x8xi32>
    %convert_element_type3A_83 = arith.extui %lt3A : vector<8x8xi1> to vector<8x8xi32>
    %convert_element_type3A_84 = arith.sitofp %convert_element_type3A_83 : vector<8x8xi32> to vector<8x8xf32>
    %convert_element_type3A_85 = arith.sitofp %select_n3A_80 : vector<1x8xi32> to vector<1x8xf32>
    %dot_general3A_86 = arith.constant dense<0.000000e+00> : vector<1x8xf32>
    %dot_general3A_87 = tpu.matmul %convert_element_type3A_85, %convert_element_type3A_84, %dot_general3A_86 {dimension_numbers = #tpu.dot_dimension_numbers<[1], [0], [0], [1], [0, 0, 1, 1], [], []>, transpose_lhs_hint = false} : vector<1x8xf32>, vector<8x8xf32>, vector<1x8xf32> -> vector<1x8xf32>
    %mul3A = arith.constant 2.560000e+02 : f32
    %mul3A_88 = vector.broadcast %mul3A : f32 to vector<1x8xf32>
    %mul3A_89 = arith.mulf %mul3A_88, %dot_general3A_87 : vector<1x8xf32>
    %broadcast_in_dim3A_90 = arith.constant 0.000000e+00 : f32
    %broadcast_in_dim3A_91 = vector.broadcast %broadcast_in_dim3A_90 : f32 to vector<1x8xf32>
    %slice3A = vector.extract_strided_slice %convert_element_type3A_37 {offsets = [0, 0], sizes = [2047, 8], strides = [1, 1]} : vector<2048x8xf32> to vector<2047x8xf32>
    %concatenate3A = tpu.concatenate %broadcast_in_dim3A_91, %slice3A in 0 : vector<1x8xf32>, vector<2047x8xf32> -> vector<2048x8xf32>
    %add3A_92 = arith.addf %convert_element_type3A_37, %concatenate3A : vector<2048x8xf32>
    %broadcast_in_dim3A_93 = arith.constant 0.000000e+00 : f32
    %broadcast_in_dim3A_94 = vector.broadcast %broadcast_in_dim3A_93 : f32 to vector<2x8xf32>
    %slice3A_95 = vector.extract_strided_slice %add3A_92 {offsets = [0, 0], sizes = [2046, 8], strides = [1, 1]} : vector<2048x8xf32> to vector<2046x8xf32>
    %concatenate3A_96 = tpu.concatenate %broadcast_in_dim3A_94, %slice3A_95 in 0 : vector<2x8xf32>, vector<2046x8xf32> -> vector<2048x8xf32>
    %add3A_97 = arith.addf %add3A_92, %concatenate3A_96 : vector<2048x8xf32>
    %broadcast_in_dim3A_98 = arith.constant 0.000000e+00 : f32
    %broadcast_in_dim3A_99 = vector.broadcast %broadcast_in_dim3A_98 : f32 to vector<4x8xf32>
    %slice3A_100 = vector.extract_strided_slice %add3A_97 {offsets = [0, 0], sizes = [2044, 8], strides = [1, 1]} : vector<2048x8xf32> to vector<2044x8xf32>
    %concatenate3A_101 = tpu.concatenate %broadcast_in_dim3A_99, %slice3A_100 in 0 : vector<4x8xf32>, vector<2044x8xf32> -> vector<2048x8xf32>
    %add3A_102 = arith.addf %add3A_97, %concatenate3A_101 : vector<2048x8xf32>
    %broadcast_in_dim3A_103 = arith.constant 0.000000e+00 : f32
    %broadcast_in_dim3A_104 = vector.broadcast %broadcast_in_dim3A_103 : f32 to vector<8x8xf32>
    %slice3A_105 = vector.extract_strided_slice %add3A_102 {offsets = [0, 0], sizes = [2040, 8], strides = [1, 1]} : vector<2048x8xf32> to vector<2040x8xf32>
    %concatenate3A_106 = tpu.concatenate %broadcast_in_dim3A_104, %slice3A_105 in 0 : vector<8x8xf32>, vector<2040x8xf32> -> vector<2048x8xf32>
    %add3A_107 = arith.addf %add3A_102, %concatenate3A_106 : vector<2048x8xf32>
    %broadcast_in_dim3A_108 = arith.constant 0.000000e+00 : f32
    %broadcast_in_dim3A_109 = vector.broadcast %broadcast_in_dim3A_108 : f32 to vector<16x8xf32>
    %slice3A_110 = vector.extract_strided_slice %add3A_107 {offsets = [0, 0], sizes = [2032, 8], strides = [1, 1]} : vector<2048x8xf32> to vector<2032x8xf32>
    %concatenate3A_111 = tpu.concatenate %broadcast_in_dim3A_109, %slice3A_110 in 0 : vector<16x8xf32>, vector<2032x8xf32> -> vector<2048x8xf32>
    %add3A_112 = arith.addf %add3A_107, %concatenate3A_111 : vector<2048x8xf32>
    %broadcast_in_dim3A_113 = arith.constant 0.000000e+00 : f32
    %broadcast_in_dim3A_114 = vector.broadcast %broadcast_in_dim3A_113 : f32 to vector<32x8xf32>
    %slice3A_115 = vector.extract_strided_slice %add3A_112 {offsets = [0, 0], sizes = [2016, 8], strides = [1, 1]} : vector<2048x8xf32> to vector<2016x8xf32>
    %concatenate3A_116 = tpu.concatenate %broadcast_in_dim3A_114, %slice3A_115 in 0 : vector<32x8xf32>, vector<2016x8xf32> -> vector<2048x8xf32>
    %add3A_117 = arith.addf %add3A_112, %concatenate3A_116 : vector<2048x8xf32>
    %broadcast_in_dim3A_118 = arith.constant 0.000000e+00 : f32
    %broadcast_in_dim3A_119 = vector.broadcast %broadcast_in_dim3A_118 : f32 to vector<64x8xf32>
    %slice3A_120 = vector.extract_strided_slice %add3A_117 {offsets = [0, 0], sizes = [1984, 8], strides = [1, 1]} : vector<2048x8xf32> to vector<1984x8xf32>
    %concatenate3A_121 = tpu.concatenate %broadcast_in_dim3A_119, %slice3A_120 in 0 : vector<64x8xf32>, vector<1984x8xf32> -> vector<2048x8xf32>
    %add3A_122 = arith.addf %add3A_117, %concatenate3A_121 : vector<2048x8xf32>
    %broadcast_in_dim3A_123 = arith.constant 0.000000e+00 : f32
    %broadcast_in_dim3A_124 = vector.broadcast %broadcast_in_dim3A_123 : f32 to vector<128x8xf32>
    %slice3A_125 = vector.extract_strided_slice %add3A_122 {offsets = [0, 0], sizes = [1920, 8], strides = [1, 1]} : vector<2048x8xf32> to vector<1920x8xf32>
    %concatenate3A_126 = tpu.concatenate %broadcast_in_dim3A_124, %slice3A_125 in 0 : vector<128x8xf32>, vector<1920x8xf32> -> vector<2048x8xf32>
    %add3A_127 = arith.addf %add3A_122, %concatenate3A_126 : vector<2048x8xf32>
    %broadcast_in_dim3A_128 = arith.constant 0.000000e+00 : f32
    %broadcast_in_dim3A_129 = vector.broadcast %broadcast_in_dim3A_128 : f32 to vector<256x8xf32>
    %slice3A_130 = vector.extract_strided_slice %add3A_127 {offsets = [0, 0], sizes = [1792, 8], strides = [1, 1]} : vector<2048x8xf32> to vector<1792x8xf32>
    %concatenate3A_131 = tpu.concatenate %broadcast_in_dim3A_129, %slice3A_130 in 0 : vector<256x8xf32>, vector<1792x8xf32> -> vector<2048x8xf32>
    %add3A_132 = arith.addf %add3A_127, %concatenate3A_131 : vector<2048x8xf32>
    %broadcast_in_dim3A_133 = arith.constant 0.000000e+00 : f32
    %broadcast_in_dim3A_134 = vector.broadcast %broadcast_in_dim3A_133 : f32 to vector<512x8xf32>
    %slice3A_135 = vector.extract_strided_slice %add3A_132 {offsets = [0, 0], sizes = [1536, 8], strides = [1, 1]} : vector<2048x8xf32> to vector<1536x8xf32>
    %concatenate3A_136 = tpu.concatenate %broadcast_in_dim3A_134, %slice3A_135 in 0 : vector<512x8xf32>, vector<1536x8xf32> -> vector<2048x8xf32>
    %add3A_137 = arith.addf %add3A_132, %concatenate3A_136 : vector<2048x8xf32>
    %broadcast_in_dim3A_138 = arith.constant 0.000000e+00 : f32
    %broadcast_in_dim3A_139 = vector.broadcast %broadcast_in_dim3A_138 : f32 to vector<1024x8xf32>
    %slice3A_140 = vector.extract_strided_slice %add3A_137 {offsets = [0, 0], sizes = [1024, 8], strides = [1, 1]} : vector<2048x8xf32> to vector<1024x8xf32>
    %concatenate3A_141 = tpu.concatenate %broadcast_in_dim3A_139, %slice3A_140 in 0 : vector<1024x8xf32>, vector<1024x8xf32> -> vector<2048x8xf32>
    %add3A_142 = arith.addf %add3A_137, %concatenate3A_141 : vector<2048x8xf32>
    %sub3A_143 = arith.subf %add3A_142, %convert_element_type3A_37 : vector<2048x8xf32>
    %broadcast_in_dim3A_144 = arith.constant 0.000000e+00 : f32
    %broadcast_in_dim3A_145 = vector.broadcast %broadcast_in_dim3A_144 : f32 to vector<1x8xf32>
    %slice3A_146 = vector.extract_strided_slice %convert_element_type3A_39 {offsets = [0, 0], sizes = [2047, 8], strides = [1, 1]} : vector<2048x8xf32> to vector<2047x8xf32>
    %concatenate3A_147 = tpu.concatenate %broadcast_in_dim3A_145, %slice3A_146 in 0 : vector<1x8xf32>, vector<2047x8xf32> -> vector<2048x8xf32>
    %add3A_148 = arith.addf %convert_element_type3A_39, %concatenate3A_147 : vector<2048x8xf32>
    %broadcast_in_dim3A_149 = arith.constant 0.000000e+00 : f32
    %broadcast_in_dim3A_150 = vector.broadcast %broadcast_in_dim3A_149 : f32 to vector<2x8xf32>
    %slice3A_151 = vector.extract_strided_slice %add3A_148 {offsets = [0, 0], sizes = [2046, 8], strides = [1, 1]} : vector<2048x8xf32> to vector<2046x8xf32>
    %concatenate3A_152 = tpu.concatenate %broadcast_in_dim3A_150, %slice3A_151 in 0 : vector<2x8xf32>, vector<2046x8xf32> -> vector<2048x8xf32>
    %add3A_153 = arith.addf %add3A_148, %concatenate3A_152 : vector<2048x8xf32>
    %broadcast_in_dim3A_154 = arith.constant 0.000000e+00 : f32
    %broadcast_in_dim3A_155 = vector.broadcast %broadcast_in_dim3A_154 : f32 to vector<4x8xf32>
    %slice3A_156 = vector.extract_strided_slice %add3A_153 {offsets = [0, 0], sizes = [2044, 8], strides = [1, 1]} : vector<2048x8xf32> to vector<2044x8xf32>
    %concatenate3A_157 = tpu.concatenate %broadcast_in_dim3A_155, %slice3A_156 in 0 : vector<4x8xf32>, vector<2044x8xf32> -> vector<2048x8xf32>
    %add3A_158 = arith.addf %add3A_153, %concatenate3A_157 : vector<2048x8xf32>
    %broadcast_in_dim3A_159 = arith.constant 0.000000e+00 : f32
    %broadcast_in_dim3A_160 = vector.broadcast %broadcast_in_dim3A_159 : f32 to vector<8x8xf32>
    %slice3A_161 = vector.extract_strided_slice %add3A_158 {offsets = [0, 0], sizes = [2040, 8], strides = [1, 1]} : vector<2048x8xf32> to vector<2040x8xf32>
    %concatenate3A_162 = tpu.concatenate %broadcast_in_dim3A_160, %slice3A_161 in 0 : vector<8x8xf32>, vector<2040x8xf32> -> vector<2048x8xf32>
    %add3A_163 = arith.addf %add3A_158, %concatenate3A_162 : vector<2048x8xf32>
    %broadcast_in_dim3A_164 = arith.constant 0.000000e+00 : f32
    %broadcast_in_dim3A_165 = vector.broadcast %broadcast_in_dim3A_164 : f32 to vector<16x8xf32>
    %slice3A_166 = vector.extract_strided_slice %add3A_163 {offsets = [0, 0], sizes = [2032, 8], strides = [1, 1]} : vector<2048x8xf32> to vector<2032x8xf32>
    %concatenate3A_167 = tpu.concatenate %broadcast_in_dim3A_165, %slice3A_166 in 0 : vector<16x8xf32>, vector<2032x8xf32> -> vector<2048x8xf32>
    %add3A_168 = arith.addf %add3A_163, %concatenate3A_167 : vector<2048x8xf32>
    %broadcast_in_dim3A_169 = arith.constant 0.000000e+00 : f32
    %broadcast_in_dim3A_170 = vector.broadcast %broadcast_in_dim3A_169 : f32 to vector<32x8xf32>
    %slice3A_171 = vector.extract_strided_slice %add3A_168 {offsets = [0, 0], sizes = [2016, 8], strides = [1, 1]} : vector<2048x8xf32> to vector<2016x8xf32>
    %concatenate3A_172 = tpu.concatenate %broadcast_in_dim3A_170, %slice3A_171 in 0 : vector<32x8xf32>, vector<2016x8xf32> -> vector<2048x8xf32>
    %add3A_173 = arith.addf %add3A_168, %concatenate3A_172 : vector<2048x8xf32>
    %broadcast_in_dim3A_174 = arith.constant 0.000000e+00 : f32
    %broadcast_in_dim3A_175 = vector.broadcast %broadcast_in_dim3A_174 : f32 to vector<64x8xf32>
    %slice3A_176 = vector.extract_strided_slice %add3A_173 {offsets = [0, 0], sizes = [1984, 8], strides = [1, 1]} : vector<2048x8xf32> to vector<1984x8xf32>
    %concatenate3A_177 = tpu.concatenate %broadcast_in_dim3A_175, %slice3A_176 in 0 : vector<64x8xf32>, vector<1984x8xf32> -> vector<2048x8xf32>
    %add3A_178 = arith.addf %add3A_173, %concatenate3A_177 : vector<2048x8xf32>
    %broadcast_in_dim3A_179 = arith.constant 0.000000e+00 : f32
    %broadcast_in_dim3A_180 = vector.broadcast %broadcast_in_dim3A_179 : f32 to vector<128x8xf32>
    %slice3A_181 = vector.extract_strided_slice %add3A_178 {offsets = [0, 0], sizes = [1920, 8], strides = [1, 1]} : vector<2048x8xf32> to vector<1920x8xf32>
    %concatenate3A_182 = tpu.concatenate %broadcast_in_dim3A_180, %slice3A_181 in 0 : vector<128x8xf32>, vector<1920x8xf32> -> vector<2048x8xf32>
    %add3A_183 = arith.addf %add3A_178, %concatenate3A_182 : vector<2048x8xf32>
    %broadcast_in_dim3A_184 = arith.constant 0.000000e+00 : f32
    %broadcast_in_dim3A_185 = vector.broadcast %broadcast_in_dim3A_184 : f32 to vector<256x8xf32>
    %slice3A_186 = vector.extract_strided_slice %add3A_183 {offsets = [0, 0], sizes = [1792, 8], strides = [1, 1]} : vector<2048x8xf32> to vector<1792x8xf32>
    %concatenate3A_187 = tpu.concatenate %broadcast_in_dim3A_185, %slice3A_186 in 0 : vector<256x8xf32>, vector<1792x8xf32> -> vector<2048x8xf32>
    %add3A_188 = arith.addf %add3A_183, %concatenate3A_187 : vector<2048x8xf32>
    %broadcast_in_dim3A_189 = arith.constant 0.000000e+00 : f32
    %broadcast_in_dim3A_190 = vector.broadcast %broadcast_in_dim3A_189 : f32 to vector<512x8xf32>
    %slice3A_191 = vector.extract_strided_slice %add3A_188 {offsets = [0, 0], sizes = [1536, 8], strides = [1, 1]} : vector<2048x8xf32> to vector<1536x8xf32>
    %concatenate3A_192 = tpu.concatenate %broadcast_in_dim3A_190, %slice3A_191 in 0 : vector<512x8xf32>, vector<1536x8xf32> -> vector<2048x8xf32>
    %add3A_193 = arith.addf %add3A_188, %concatenate3A_192 : vector<2048x8xf32>
    %broadcast_in_dim3A_194 = arith.constant 0.000000e+00 : f32
    %broadcast_in_dim3A_195 = vector.broadcast %broadcast_in_dim3A_194 : f32 to vector<1024x8xf32>
    %slice3A_196 = vector.extract_strided_slice %add3A_193 {offsets = [0, 0], sizes = [1024, 8], strides = [1, 1]} : vector<2048x8xf32> to vector<1024x8xf32>
    %concatenate3A_197 = tpu.concatenate %broadcast_in_dim3A_195, %slice3A_196 in 0 : vector<1024x8xf32>, vector<1024x8xf32> -> vector<2048x8xf32>
    %add3A_198 = arith.addf %add3A_193, %concatenate3A_197 : vector<2048x8xf32>
    %sub3A_199 = arith.subf %add3A_198, %convert_element_type3A_39 : vector<2048x8xf32>
    %mul3A_200 = arith.mulf %sub3A_143, %convert_element_type3A_37 : vector<2048x8xf32>
    %reduce_sum3A_201 = arith.constant dense<0.000000e+00> : vector<2048xf32>
    %reduce_sum3A_202 = vector.multi_reduction <add>, %mul3A_200, %reduce_sum3A_201 [1] : vector<2048x8xf32> to vector<2048xf32>
    %broadcast_in_dim3A_203 = vector.shape_cast %reduce_sum3A_202 : vector<2048xf32> to vector<2048x1xf32>
    %mul3A_204 = arith.mulf %sub3A_199, %convert_element_type3A_39 : vector<2048x8xf32>
    %reduce_sum3A_205 = arith.constant dense<0.000000e+00> : vector<2048xf32>
    %reduce_sum3A_206 = vector.multi_reduction <add>, %mul3A_204, %reduce_sum3A_205 [1] : vector<2048x8xf32> to vector<2048xf32>
    %broadcast_in_dim3A_207 = vector.shape_cast %reduce_sum3A_206 : vector<2048xf32> to vector<2048x1xf32>
    %mul3A_208 = vector.broadcast %broadcast_in_dim3A_42 : vector<1x8xf32> to vector<2048x8xf32>
    %mul3A_209 = arith.mulf %convert_element_type3A_39, %mul3A_208 : vector<2048x8xf32>
    %reduce_sum3A_210 = arith.constant dense<0.000000e+00> : vector<2048xf32>
    %reduce_sum3A_211 = vector.multi_reduction <add>, %mul3A_209, %reduce_sum3A_210 [1] : vector<2048x8xf32> to vector<2048xf32>
    %broadcast_in_dim3A_212 = vector.shape_cast %reduce_sum3A_211 : vector<2048xf32> to vector<2048x1xf32>
    %add3A_213 = arith.addf %broadcast_in_dim3A_207, %broadcast_in_dim3A_212 : vector<2048x1xf32>
    %mul3A_214 = vector.broadcast %mul3A_89 : vector<1x8xf32> to vector<2048x8xf32>
    %mul3A_215 = arith.mulf %convert_element_type3A_37, %mul3A_214 : vector<2048x8xf32>
    %reduce_sum3A_216 = arith.constant dense<0.000000e+00> : vector<2048xf32>
    %reduce_sum3A_217 = vector.multi_reduction <add>, %mul3A_215, %reduce_sum3A_216 [1] : vector<2048x8xf32> to vector<2048xf32>
    %broadcast_in_dim3A_218 = vector.shape_cast %reduce_sum3A_217 : vector<2048xf32> to vector<2048x1xf32>
    %add3A_219 = arith.addf %broadcast_in_dim3A_218, %broadcast_in_dim3A_203 : vector<2048x1xf32>
    %mul3A_220 = vector.broadcast %mul3A_89 : vector<1x8xf32> to vector<2048x8xf32>
    %mul3A_221 = arith.mulf %convert_element_type3A_39, %mul3A_220 : vector<2048x8xf32>
    %reduce_sum3A_222 = arith.constant dense<0.000000e+00> : vector<2048xf32>
    %reduce_sum3A_223 = vector.multi_reduction <add>, %mul3A_221, %reduce_sum3A_222 [1] : vector<2048x8xf32> to vector<2048xf32>
    %broadcast_in_dim3A_224 = vector.shape_cast %reduce_sum3A_223 : vector<2048xf32> to vector<2048x1xf32>
    %add3A_225 = arith.addf %broadcast_in_dim3A_224, %add3A_213 : vector<2048x1xf32>
    %convert_element_type3A_226 = arith.fptosi %add3A_219 : vector<2048x1xf32> to vector<2048x1xi32>
    %swap3A = arith.constant 0 : index
    %swap3A_227 = arith.constant 0 : index
    %swap3A_228 = vector.load %arg2[%swap3A, %swap3A_227] : memref<2048x1xi32, #tpu.memory_space<vmem>>, vector<2048x1xi32>
    tpu.vector_store %arg2[%swap3A, %swap3A_227], %convert_element_type3A_226 {strides = array<i32>} : memref<2048x1xi32, #tpu.memory_space<vmem>>, vector<2048x1xi32>,
    %convert_element_type3A_229 = arith.fptosi %add3A_225 : vector<2048x1xf32> to vector<2048x1xi32>
    %swap3A_230 = arith.constant 0 : index
    %swap3A_231 = arith.constant 0 : index
    %swap3A_232 = vector.load %arg3[%swap3A_230, %swap3A_231] : memref<2048x1xi32, #tpu.memory_space<vmem>>, vector<2048x1xi32>
    tpu.vector_store %arg3[%swap3A_230, %swap3A_231], %convert_element_type3A_229 {strides = array<i32>} : memref<2048x1xi32, #tpu.memory_space<vmem>>, vector<2048x1xi32>,
    %broadcast_in_dim3A_233 = vector.shape_cast %div3A_35 : vector<2048x1xf32> to vector<2048x1xf32>
    %broadcast_in_dim3A_234 = vector.broadcast %broadcast_in_dim3A_233 : vector<2048x1xf32> to vector<2048x128xf32>
    %swap3A_235 = arith.constant 0 : index
    %swap3A_236 = arith.constant 0 : index
    %swap3A_237 = vector.load %arg4[%swap3A_235, %swap3A_236] : memref<2048x128xf32, #tpu.memory_space<vmem>>, vector<2048x128xf32>
    tpu.vector_store %arg4[%swap3A_235, %swap3A_236], %broadcast_in_dim3A_234 {strides = array<i32>} : memref<2048x128xf32, #tpu.memory_space<vmem>>, vector<2048x128xf32>,
    %broadcast_in_dim3A_238 = vector.shape_cast %div3A_36 : vector<2048x1xf32> to vector<2048x1xf32>
    %broadcast_in_dim3A_239 = vector.broadcast %broadcast_in_dim3A_238 : vector<2048x1xf32> to vector<2048x128xf32>
    %swap3A_240 = arith.constant 0 : index
    %swap3A_241 = arith.constant 0 : index
    %swap3A_242 = vector.load %arg5[%swap3A_240, %swap3A_241] : memref<2048x128xf32, #tpu.memory_space<vmem>>, vector<2048x128xf32>
    tpu.vector_store %arg5[%swap3A_240, %swap3A_241], %broadcast_in_dim3A_239 {strides = array<i32>} : memref<2048x128xf32, #tpu.memory_space<vmem>>, vector<2048x128xf32>,
    %convert_element_type3A_243 = arith.sitofp %select_n3A_80 : vector<1x8xi32> to vector<1x8xf32>
    %mul3A_244 = arith.constant 2.560000e+02 : f32
    %mul3A_245 = vector.broadcast %mul3A_244 : f32 to vector<1x8xf32>
    %mul3A_246 = arith.mulf %mul3A_245, %convert_element_type3A_243 : vector<1x8xf32>
    %add3A_247 = arith.addf %mul3A_89, %mul3A_246 : vector<1x8xf32>
    %iota3A_248 = tpu.iota {dimensions = array<i32: 0>} : vector<128x8xi32>
    %mul3A_249 = arith.constant 256 : i32
    %mul3A_250 = vector.broadcast %mul3A_249 : i32 to vector<128x8xi32>
    %mul3A_251 = arith.muli %iota3A_248, %mul3A_250 : vector<128x8xi32>
    %convert_element_type3A_252 = arith.sitofp %mul3A_251 : vector<128x8xi32> to vector<128x8xf32>
    %broadcast_in_dim3A_253 = vector.shape_cast %add3A_247 : vector<1x8xf32> to vector<1x8xf32>
    %broadcast_in_dim3A_254 = vector.broadcast %broadcast_in_dim3A_253 : vector<1x8xf32> to vector<128x8xf32>
    %ge3A_255 = arith.cmpf oge, %convert_element_type3A_252, %broadcast_in_dim3A_254 : vector<128x8xf32>
    %convert_element_type3A_256 = arith.extui %ge3A_255 : vector<128x8xi1> to vector<128x8xi32>
    %reduce_sum3A_257 = arith.constant dense<0> : vector<128xi32>
    %reduce_sum3A_258 = vector.multi_reduction <add>, %convert_element_type3A_256, %reduce_sum3A_257 [1] : vector<128x8xi32> to vector<128xi32>
    %broadcast_in_dim3A_259 = vector.shape_cast %reduce_sum3A_258 : vector<128xi32> to vector<128x1xi32>
    %min3A = arith.constant 7 : i32
    %min3A_260 = vector.broadcast %min3A : i32 to vector<128x1xi32>
    %min3A_261 = arith.minsi %broadcast_in_dim3A_259, %min3A_260 : vector<128x1xi32>
    %swap3A_262 = arith.constant 0 : index
    %swap3A_263 = arith.constant 0 : index
    %swap3A_264 = vector.load %arg6[%swap3A_262, %swap3A_263] : memref<128x1xi32, #tpu.memory_space<vmem>>, vector<128x1xi32>
    tpu.vector_store %arg6[%swap3A_262, %swap3A_263], %min3A_261 {strides = array<i32>} : memref<128x1xi32, #tpu.memory_space<vmem>>, vector<128x1xi32>,
    return
  }
}

module attributes {stable_mosaic.version = 14 : i64} {
  func.func @_down_body(%arg0: i32, %arg1: memref<24xi32, #tpu.memory_space<smem>>, %arg2: memref<256x2048xf32, #tpu.memory_space<vmem>>, %arg3: memref<1x1024x2048xf32, #tpu.memory_space<vmem>>, %arg4: memref<256x128xf32, #tpu.memory_space<vmem>>, %arg5: memref<256x1024xf32, #tpu.memory_space<vmem>>) attributes {dimension_semantics = [#tpu.dimension_semantics<arbitrary>], iteration_bounds = array<i64: 24>, scalar_prefetch = 1 : i64, scratch_operands = 0 : i64, tpu.core_type = #tpu.core_type<tc>, window_params = [{transform_indices = @transform_0, window_bounds = array<i64: 256, 2048>}, {transform_indices = @transform_1, window_bounds = array<i64: 1, 1024, 2048>}, {transform_indices = @transform_2, window_bounds = array<i64: 256, 128>}, {transform_indices = @transform_3, window_bounds = array<i64: 256, 1024>}]} {
    %get3A = arith.constant 0 : index
    %get3A_0 = arith.constant 0 : index
    %get3A_1 = vector.load %arg2[%get3A, %get3A_0] : memref<256x2048xf32, #tpu.memory_space<vmem>>, vector<256x2048xf32>
    %get3A_2 = arith.constant 0 : index
    %get3A_3 = arith.constant 0 : index
    %get3A_4 = arith.constant 0 : index
    %get3A_5 = vector.load %arg3[%get3A_2, %get3A_3, %get3A_4] : memref<1x1024x2048xf32, #tpu.memory_space<vmem>>, vector<1x1024x2048xf32>
    %get3A_6 = vector.shape_cast %get3A_5 : vector<1x1024x2048xf32> to vector<1024x2048xf32>
    %dot_general3A = arith.constant dense<0.000000e+00> : vector<256x1024xf32>
    %dot_general3A_7 = tpu.matmul %get3A_1, %get3A_6, %dot_general3A {dimension_numbers = #tpu.dot_dimension_numbers<[1], [1], [0], [0], [0, 0, 1, 0], [], []>, transpose_lhs_hint = false} : vector<256x2048xf32>, vector<1024x2048xf32>, vector<256x1024xf32> -> vector<256x1024xf32>
    %get3A_8 = arith.constant 0 : index
    %get3A_9 = arith.constant 0 : index
    %get3A_10 = vector.load %arg4[%get3A_8, %get3A_9] : memref<256x128xf32, #tpu.memory_space<vmem>>, vector<256x1xf32>
    %mul3A = vector.broadcast %get3A_10 : vector<256x1xf32> to vector<256x1024xf32>
    %mul3A_11 = arith.mulf %dot_general3A_7, %mul3A : vector<256x1024xf32>
    %swap3A = arith.constant 0 : index
    %swap3A_12 = arith.constant 0 : index
    %swap3A_13 = vector.load %arg5[%swap3A, %swap3A_12] : memref<256x1024xf32, #tpu.memory_space<vmem>>, vector<256x1024xf32>
    tpu.vector_store %arg5[%swap3A, %swap3A_12], %mul3A_11 {strides = array<i32>} : memref<256x1024xf32, #tpu.memory_space<vmem>>, vector<256x1024xf32>,
    return
  }
  func.func @transform_0(%arg0: i32, %arg1: memref<24xi32, #tpu.memory_space<smem>>) -> (i32, i32) {
    %c0_i32 = arith.constant 0 : i32
    %c0_i32_0 = arith.constant 0 : i32
    return %arg0, %c0_i32 : i32, i32
  }
  func.func @transform_1(%arg0: i32, %arg1: memref<24xi32, #tpu.memory_space<smem>>) -> (i32, i32, i32) {
    %get3A = arith.index_cast %arg0 : i32 to index
    %get3A_0 = memref.load %arg1[%get3A] : memref<24xi32, #tpu.memory_space<smem>>
    %c0_i32 = arith.constant 0 : i32
    %c0_i32_1 = arith.constant 0 : i32
    %c0_i32_2 = arith.constant 0 : i32
    return %get3A_0, %c0_i32, %c0_i32_1 : i32, i32, i32
  }
  func.func @transform_2(%arg0: i32, %arg1: memref<24xi32, #tpu.memory_space<smem>>) -> (i32, i32) {
    %c0_i32 = arith.constant 0 : i32
    %c0_i32_0 = arith.constant 0 : i32
    return %arg0, %c0_i32 : i32, i32
  }
  func.func @transform_3(%arg0: i32, %arg1: memref<24xi32, #tpu.memory_space<smem>>) -> (i32, i32) {
    %c0_i32 = arith.constant 0 : i32
    %c0_i32_0 = arith.constant 0 : i32
    return %arg0, %c0_i32 : i32, i32
  }
}

</mosaic_0001>

<sc_bundles>
// kernel: kernel.10.cloned.1.call-start
scs
__scs_entry_jumppad:
0x0: {  	(pc) =	sbr.rel $0x88, $3  }
0x1: {  	(tag) =	ssettag $0x0;
	lr =	simm.s32 $0x1  }
0x2: {  	[smem:$0x3F9C] =	sst lr;
	_ =	strace $0xD0000000  }
0x3: {  	_ = 	snop  }
0x4: {  	_ = 	snop  }
0x5: {  	_ = 	snop  }
0x6: {  	_ = 	snop  }
0x7: {  	_ = 	snop  }
__scs_overlays_trampoline_lowered:
0x8: {  	[smem:$0x3FAB] =	sst s0  }
0x9: {  	[smem:$0x3FAC] =	sst s1  }
0xa: {  	[smem:$0x3FAD] =	sst s2  }
0xb: {  	[smem:$0x3FAE] =	sst s3  }
0xc: {  	[smem:$0x3FAF] =	sst s4  }
0xd: {  	[smem:$0x3FB0] =	sst s5  }
0xe: {  	[smem:$0x3FB1] =	sst s6  }
0xf: {  	[smem:$0x3FB2] =	sst s7  }
0x10: {  	[smem:$0x3FB3] =	sst s8  }
0x11: {  	[smem:$0x3FB4] =	sst s9;
	s0 =	simm.s32 @!p0 $0x0  }
0x12: {  	s1 =	sld [smem:$0x3F9A];
	s0 =	simm.s32 @p0 $0x1  }
0x13: {  	[smem:$0x3FB5] =	sst s0;
	s0 =	simm.s32 @!p1 $0x0  }
0x14: {  	s2 =	sld [smem:$0x3F99];
	s0 =	simm.s32 @p1 $0x1  }
0x15: {  	[smem:$0x3FB6] =	sst s0;
	s0 =	simm.s32 @!p2 $0x0  }
0x16: {  	s3 =	sld [smem:$0x3FDB];
	s0 =	simm.s32 @p2 $0x1  }
0x17: {  	s4 =	simm.s32 $0x1BF5;
	[smem:$0x3FB8] =	sst s0  }
0x18: {  	s0 =	sld [smem:$0x3F9B];
	_ =	swait.ge [sflag:s4], $0x0  }
0x19: {  	s7 =	sld [smem:$0x3F9C]  }
0x1a: {  	s8 =	sadd.s32 $0xFFFFE003, lr  }
0x1b: {  	s9 =	sadd.s32 $0xFFFFFEF7, lr;
	s5 =	simm.s32 $0xFFFFFFFF;
	p2 =	slt.u32 s8, $0xFFFFF086  }
0x1c: {  	p1 =	slt.u32 s9, $0xF7A;
	s5 =	simm.s32 @!p2 $0x0  }
0x1d: {  	s5 =	simm.s32 @p1 $0x1;
	p0 =	seq.s32 s7, s2  }
0x1e: {  	s7 =	smul.u32 @!p0 $0xF7A, s2;
	p2 =	seq.s32 @!p0 s5, $0x0  }
0x1f: {  	s9 =	smul.u32 $0xF7A, s1;
	s8 =	simm.s32 @!p0 $0x1BF5;
	p2 =	por !p2, p0  }
0x20: {  	[sflag:s8] =	ssyncset.s32 @!p0 $0xFFFFF086;
	s6 =	sadd.s32 @!p0 s3, s7;
	s7 =	simm.s32 @!p0 $0x108  }
0x21: {  	s3 =	sadd.s32 s3, s9;
	s6 =	sadd.s32 @!p0 $0x88, s6;
	s7 =	simm.s32 @p2 $0x1082  }
0x22: {  	[simem:s7], [sflag:s8] =	dma.local @!p0 [hbm:s6], $0xF7A  }
0x23: {  	s9 =	sor.u32 $0xD0000000, s2;
	s6 =	simm.s32 $0x108;
	_ =	swait.ge @!p0 [sflag:s8], $0x0  }
0x24: {  	s3 =	sadd.s32 $0x88, s3;
	s6 =	simm.s32 @!p1 $0x1082;
	[sflag:s4] =	ssyncset.s32 $0xFFFFF086  }
0x25: {  	[simem:s6], [sflag:s4] =	dma.local [hbm:s3], $0xF7A  }
0x26: {  	[smem:$0x3F9C] =	sst s1;
	(tag) =	ssettag s2;
	_ =	strace s9  }
0x27: {  	s1 =	sld [smem:$0x3FAC]  }
0x28: {  	s2 =	sld [smem:$0x3FAD]  }
0x29: {  	s4 =	sld [smem:$0x3FAF]  }
0x2a: {  	p0 =	seq.s32 s5, $0x0;
	s5 =	sld [smem:$0x3FB0]  }
0x2b: {  	s6 =	sld [smem:$0x3FB1]  }
0x2c: {  	s7 =	sld [smem:$0x3FB2]  }
0x2d: {  	s3 =	simm.s32 $0x108;
	s8 =	sld [smem:$0x3FB3]  }
0x2e: {  	s3 =	simm.s32 @!p0 $0x1082;
	s9 =	sld [smem:$0x3FB4]  }
0x2f: {  	lr =	sadd.s32 s0, s3;
	s0 =	sld [smem:$0x3FAB]  }
0x30: {  	s3 =	sld [smem:$0x3FAE]  }
0x31: {  	[smem:$0x3FB7] =	sst s10  }
0x32: {  	s10 =	sld [smem:$0x3FB5];
	_ =	sdelay $0x3  }
0x33: {  	p0 =	seq.s32 s10, $0x1;
	s10 =	sld [smem:$0x3FB7];
	_ =	sdelay $0x3  }
0x34: {  	[smem:$0x3FB7] =	sst s10  }
0x35: {  	s10 =	sld [smem:$0x3FB6];
	_ =	sdelay $0x3  }
0x36: {  	p1 =	seq.s32 s10, $0x1;
	s10 =	sld [smem:$0x3FB7];
	_ =	sdelay $0x3  }
0x37: {  	[smem:$0x3FB7] =	sst s10  }
0x38: {  	s10 =	sld [smem:$0x3FB8]  }
0x39: {  	_ = 	snop;
	(pc) =	sbr.ind lr, $3  }
0x3a: {  	_ = 	snop  }
0x3b: {  	_ = 	snop  }
0x3c: {  	p2 =	seq.s32 s10, $0x1;
	s10 =	sld [smem:$0x3FB7]  }
0x3d: {  	_ =	shalt  }
0x3e: {  	_ =	shalt  }
0x3f: {  	_ =	shalt  }
0x40: {  	_ =	shalt  }
0x41: {  	_ =	shalt  }
0x42: {  	_ =	shalt  }
0x43: {  	_ =	shalt  }
0x44: {  	_ =	shalt  }
0x45: {  	_ =	shalt  }
0x46: {  	_ =	shalt  }
0x47: {  	_ =	shalt  }
0x48: {  	_ =	shalt  }
0x49: {  	_ =	shalt  }
0x4a: {  	_ =	shalt  }
0x4b: {  	_ =	shalt  }
0x4c: {  	_ =	shalt  }
0x4d: {  	_ =	shalt  }
0x4e: {  	_ =	shalt  }
0x4f: {  	_ =	shalt  }
0x50: {  	_ =	shalt  }
0x51: {  	_ =	shalt  }
0x52: {  	_ =	shalt  }
0x53: {  	_ =	shalt  }
0x54: {  	_ =	shalt  }
0x55: {  	_ =	shalt  }
0x56: {  	_ =	shalt  }
0x57: {  	_ =	shalt  }
0x58: {  	_ =	shalt  }
0x59: {  	_ =	shalt  }
0x5a: {  	_ =	shalt  }
0x5b: {  	_ =	shalt  }
0x5c: {  	_ =	shalt  }
0x5d: {  	_ =	shalt  }
0x5e: {  	_ =	shalt  }
0x5f: {  	_ =	shalt  }
0x60: {  	_ =	shalt  }
0x61: {  	_ =	shalt  }
0x62: {  	_ =	shalt  }
0x63: {  	_ =	shalt  }
0x64: {  	_ =	shalt  }
0x65: {  	_ =	shalt  }
0x66: {  	_ =	shalt  }
0x67: {  	_ =	shalt  }
0x68: {  	_ =	shalt  }
0x69: {  	_ =	shalt  }
0x6a: {  	_ =	shalt  }
0x6b: {  	_ =	shalt  }
0x6c: {  	_ =	shalt  }
0x6d: {  	_ =	shalt  }
0x6e: {  	_ =	shalt  }
0x6f: {  	_ =	shalt  }
0x70: {  	_ =	shalt  }
0x71: {  	_ =	shalt  }
0x72: {  	_ =	shalt  }
0x73: {  	_ =	shalt  }
0x74: {  	_ =	shalt  }
0x75: {  	_ =	shalt  }
0x76: {  	_ =	shalt  }
0x77: {  	_ =	shalt  }
0x78: {  	_ =	shalt  }
0x79: {  	_ =	shalt  }
0x7a: {  	_ =	shalt  }
0x7b: {  	_ =	shalt  }
0x7c: {  	_ =	shalt  }
0x7d: {  	_ =	shalt  }
0x7e: {  	_ =	shalt  }
0x7f: {  	_ =	shalt  }
0x80: {  	_ =	shalt  }
0x81: {  	_ =	shalt  }
0x82: {  	_ =	shalt  }
0x83: {  	_ =	shalt  }
0x84: {  	_ =	shalt  }
0x85: {  	_ =	shalt  }
0x86: {  	_ =	shalt  }
0x87: {  	_ =	shalt  }
.Lfunc_end0:
.L_simem_size_0:
called_computation.1_lowered:
.L_overlay_start_0:
0x88: {  	s2 =	sld [smem:$0x3FD9]  }
0x89: {  	s3 =	sld [smem:$0x3FFE];
	_ =	sdelay $0x1  }
0x8a: {  	s1 =	srdreg.scid  }
0x8b: {  	s0 =	sand.u32 $0x1, s1  }
0x8c: {  	s17 =	sshll.u32 s0, $0xA;
	s2 =	sadd.s32 s3, s2  }
0x8d: {  	s2 =	sadd.s32 s2, s17  }
0x8e: {  	[smem:$0x3FC3] =	sst s2  }
0x8f: {  	_ = 	snop  }
0x90: {  	s2 =	sld [smem:$0x3FD0];
	(tm) =	ssettm $0x1  }
0x91: {  	s18 =	sld [smem:$0x3FFB];
	_ =	sdelay $0x3  }
0x92: {  	_ =	strace s18  }
0x93: {  	s3 =	sld [smem:$0x3FFC];
	_ =	sdelay $0x3  }
0x94: {  	_ =	strace s3  }
0x95: {  	s3 =	sld [smem:$0x3FFD];
	_ =	sdelay $0x3  }
0x96: {  	_ =	strace s3  }
0x97: {  	_ =	strace $0x8FFFFFFF  }
0x98: {  	s19 =	sld [smem:$0x3FDB];
	_ =	sdelay $0x1  }
0x99: {  	s4 =	simm.s32 $_scs_section_size  }
0x9a: {  	s5 =	simm.s32 $_size__tile_overlayer_lowered;
	s6 =	simm.s32 $_tile_overlayer_lowered  }
0x9b: {  	s22 =	simm.s32 $0x1BFF;
	s21 =	sshll.u32 s6, $0x1;
	s3 =	sadd.s32 s4, s19  }
0x9c: {  	s7 =	simm.s32 $0x0;
	s20 =	sshll.u32 s5, $0x1;
	s5 =	sadd.s32 s21, s3  }
0x9d: {  	[timem:s7], [sflag:s22] =	dma.local [hbm:s5], s20  }
0x9e: {  	_ =	swait.ge [sflag:s22], s20  }
0x9f: {  	s4 =	ssub.s32 $0x0, s20;
	[sflag:s22] =	ssyncset.done $0x0  }
0xa0: {  	[sflag:s22] =	ssyncadd.s32 s4;
	_ =	sdelay $0x1  }
0xa1: {  	s23 =	simm.s32 $0x1B8B  }
0xa2: {  	_ =	swait.ge [sflag:s23], $0x1  }
0xa3: {  	[sflag:s23] =	ssyncset.done $0x0  }
0xa4: {  	s25 =	simm.s32 $0x1B8E;
	s24 =	sld [smem:$0x3FFE];
	[sflag:s23] =	ssyncadd.s32 $0xFFFFFFFF  }
0xa5: {  	s26 =	simm.s32 $execute0_lowered;
	[smem:$0x3FD2] =	sst s25  }
0xa6: {  	s5 =	sshll.u32 s26, $0x1;
	_ =	strace $0x80000049;
	[dreg:$0x1] =	wrdreg $0xFFFFFFFF  }
0xa7: {  	s28 =	simm.s32 $_size_execute0_lowered;
	s3 =	sadd.s32 s3, s5;
	[dreg:$0x0] =	wrdreg $0x0  }
0xa8: {  	s5 =	sshll.u32 s28, $0x1;
	[dreg:$0x2] =	wrdreg s3  }
0xa9: {  	[dreg:$0x3] =	wrdreg s5  }
0xaa: {  	[dreg:$0x4] =	wrdreg $0xC0  }
0xab: {  	_ =	task [dreg:s7], $0x5FFFF  }
0xac: {  	[dreg:$0x1] =	wrdreg $0xFFFFFFFF  }
0xad: {  	[dreg:$0x0] =	wrdreg $0x60  }
0xae: {  	[dreg:$0x2] =	wrdreg s24  }
0xaf: {  	[dreg:$0x3] =	wrdreg s2  }
0xb0: {  	[dreg:$0x4] =	wrdreg $0x9  }
0xb1: {  	_ =	task.clear_ibuf [dreg:s7], $0x5FFFF;
	_ =	strace $0x90000049  }
0xb2: {  	s29 =	simm.s32 $0x9;
	_ =	strace $0x8000004B  }
0xb3: {  	_ =	swait.ge [sflag:s29], $0x1  }
0xb4: {  	[sflag:s29] =	ssyncadd.s32 $0xFFFFFFFF  }
0xb5: {  	_ =	strace $0x9000004B  }
0xb6: {  	_ =	sfence  }
0xb7: {  	s30 =	sld [smem:$0x0];
	_ =	sdelay $0x2  }
0xb8: {  	s31 =	sshll.u32 s1, $0xD;
	s1 =	sshrl.u32 s1, $0x2  }
0xb9: {  	s3 =	sand.u32 $0x4000, s31;
	s1 =	sadd.s32 s1, s30  }
0xba: {  	s0 =	sor.u32 s3, s0;
	s1 =	sshll.u32 s1, $0x11  }
0xbb: {  	s0 =	sor.u32 s1, s0  }
0xbc: {  	s0 =	sadd.s32 $0x8F2B, s0  }
0xbd: {  	[sflag:s0] =	ssyncadd.remote.s32 $0x1  }
0xbe: {  	_ =	sfence.sel $0xFFFF  }
0xbf: {  	[dreg:$0x0] =	wrdreg $0xFFFFFFFF;
	(pc) =	sbr.abs _section_cstart, $3  }
0xc0: {  	[dreg:$0x1] =	wrdreg $0xFFFFFFFF  }
0xc1: {  	_ =	task.clear_ibuf [dreg:s7], $0x2FFFF;
	_ =	strace $0x9FFFFFFF  }
0xc2: {  	(tm) =	ssettm $0x7FFFFFFF  }
0xc3: {  	_ =	shalt  }
tec
execute0_lowered:
.L_overlay_start_1:
0x0: {  	(tag) =	ssettag $0x1  }
0x1: {  	s0 =	rddreg [dreg:$0x0]  }
0x2: {  	s1 =	rddreg [dreg:$0x1];
	s2 =	simm.s32 $0x0  }
0x3: {  	s3 =	srdreg.scid;
	s5 =	stileid.u32;
	s14 =	simm.s32 $0x2  }
0x4: {  	s16 =	simm.s32 $0x100;
	s15 =	simm.s32 $0xA100;
	s17 =	simm.s32 $0xB100  }
0x5: {  	s12 =	simm.s32 $0xB900;
	s18 =	simm.s32 $0xC100;
	s13 =	simm.s32 $0xC900  }
0x6: {  	s19 =	simm.s32 $0xD100;
	s20 =	simm.s32 $0xD900;
	s21 =	simm.s32 $0xE100  }
0x7: {  	s22 =	simm.s32 $0xE900;
	[smem:$0x7FF] =	sst s2;
	s4 =	sand.u32 $0x1, s3  }
0x8: {  	s3 =	sadd.s32 $0x10C00, s0;
	s5 =	sshll.u32 s5, $0x7;
	s9 =	sadd.s32 $0x10800, s0  }
0x9: {  	s10 =	sadd.s32 $0x10A00, s0;
	s8 =	sadd.s32 $0x10F00, s0;
	s6 =	sshll.u32 s4, $0x6  }
0xa: {  	_ =	strace $0x8000004A;
	s4 =	ssub.s32 $0x2, s4;
	s5 =	sor.u32 s6, s5  }
0xb: {  	s23 =	sshrl.u32 s4, $0x1;
	s6 =	sadd.s32 $0x10D00, s0;
	s7 =	sshrl.u32 s5, $0x3  }
0xc: {  	s4 =	ssub.s32 s4, s23;
	s11 =	sor.u32 $0x20, s5;
	s26 =	sshll.u32 s5, $0x7  }
0xd: {  	s23 =	simm.s32 $0xF100;
	s24 =	sadd.s32 s9, s7;
	s25 =	sadd.s32 s10, s7  }
0xe: {  	s7 =	sadd.s32 $0x10E00, s0;
	s28 =	sshrl.u32 s11, $0x3;
	[dreg:$0x3] =	wrdreg s24  }
0xf: {  	s0 =	sadd.s32 s1, s26;
	s30 =	sshll.u32 s11, $0x7;
	[dreg:$0x4] =	wrdreg s25  }
0x10: {  	s31 =	smax.u32 s4, $0x1;
	s11 =	simm.s32 $0xA900;
	[dreg:$0x5] =	wrdreg s0  }
0x11: {  	s29 =	sadd.s32 s9, s28;
	s5 =	sadd.s32 s10, s28;
	[dreg:$0x9] =	wrdreg s31  }
0x12: {  	v2 =	vlaneseq.u32;
	s0 =	sadd.s32 s1, s30;
	s1 =	simm.s32 $0x1;
	[dreg:$0x6] =	wrdreg s29  }
0x13: {  	vm0 =	vmmov $0xffff;
	v1 =	vshrl.u32 v2, $0x3;
	s9 =	simm.s32 $0x9100;
	s10 =	simm.s32 $0x9900;
	[dreg:$0x7] =	wrdreg s5  }
0x14: {  	v0 =	vand.u32 $0x7, v2;
	v2 =	vor.u32 $0x8, v2;
	v1 =	vmul.u32 $0x8, v1;
	s24 =	simm.s32 $0xF900;
	s25 =	simm.s32 $0x0;
	[dreg:$0x8] =	wrdreg s0  }
.LBB2_1:
0x15: {  	s0 =	rddreg [dreg:$0x3]  }
0x16: {  	[tilespmem:s2], [sflag:$0x2] =	stream.linear.gather [hbm4b:s0+s2], $0x20, $0x38;
	[tilespmem:$0x10100] =	vst v63  }
0x17: {  	_ =	swait.ge [sflag:s14], $0x20  }
0x18: {  	[sflag:s14] =	ssyncset.done $0x0  }
0x19: {  	s4 =	simm.s32 $0x80;
	s28 =	rddreg [dreg:$0x4];
	[sflag:s14] =	ssyncadd.s32 $0xFFFFFFE0  }
0x1a: {  	[tilespmem:s4], [sflag:$0x2] =	stream.linear.gather [hbm4b:s28+s2], $0x20, $0x38;
	[tilespmem:$0x10100] =	vst v63  }
0x1b: {  	_ =	swait.ge [sflag:s14], $0x20  }
0x1c: {  	[sflag:s14] =	ssyncset.done $0x0  }
0x1d: {  	[sflag:s14] =	ssyncadd.s32 $0xFFFFFFE0  }
0x1e: {  	v3 =	vld [tilespmem:$0x0];
	_ =	sdelay $0x4  }
0x1f: {  	v4 =	vshll.u32 v3, $0x3  }
0x20: {  	v3 =	vand.u32 $0x7, v3;
	v4 =	vand.u32 $0xFFFFFFC0, v4  }
0x21: {  	v3 =	vor.u32 v3, v4  }
0x22: {  	v4 =	vperm.xlane v3, v0;
	_ =	sdelay $0x1  }
0x23: {  	v4 =	vadd.s32 v1, v4;
	_ =	sdelay $0x4  }
0x24: {  	[tilespmem:s16], [sflag:$0x1] =	stream.indirect_vreg.gather [hbm4b:s3+s2], $0x80, v4, vm0, $0xb8;
	[tilespmem:$0x10100] =	vst v63  }
0x25: {  	s29 =	simm.s32 $0x900;
	v3 =	vperm.xlane v3, v2  }
0x26: {  	[tilespmem:s29], [sflag:$0x1] =	stream.indirect_vreg.gather [hbm4b:s6+s2], $0x80, v4, vm0, $0xb8;
	[tilespmem:$0x10100] =	vst v63  }
0x27: {  	s30 =	simm.s32 $0x1100;
	v3 =	vadd.s32 v1, v3  }
0x28: {  	[tilespmem:s30], [sflag:$0x1] =	stream.indirect_vreg.gather [hbm4b:s7+s2], $0x80, v4, vm0, $0xb8;
	[tilespmem:$0x10100] =	vst v63  }
0x29: {  	s31 =	simm.s32 $0x1900  }
0x2a: {  	[tilespmem:s31], [sflag:$0x1] =	stream.indirect_vreg.gather [hbm4b:s8+s2], $0x80, v4, vm0, $0xb8;
	[tilespmem:$0x10100] =	vst v63  }
0x2b: {  	s4 =	simm.s32 $0x2100  }
0x2c: {  	[tilespmem:s4], [sflag:$0x1] =	stream.indirect_vreg.gather [hbm4b:s3+s2], $0x80, v3, vm0, $0xb8;
	[tilespmem:$0x10100] =	vst v63  }
0x2d: {  	s5 =	simm.s32 $0x2900  }
0x2e: {  	[tilespmem:s5], [sflag:$0x1] =	stream.indirect_vreg.gather [hbm4b:s6+s2], $0x80, v3, vm0, $0xb8;
	[tilespmem:$0x10100] =	vst v63  }
0x2f: {  	s26 =	simm.s32 $0x3100  }
0x30: {  	[tilespmem:s26], [sflag:$0x1] =	stream.indirect_vreg.gather [hbm4b:s7+s2], $0x80, v3, vm0, $0xb8;
	[tilespmem:$0x10100] =	vst v63  }
0x31: {  	s28 =	simm.s32 $0x3900  }
0x32: {  	[tilespmem:s28], [sflag:$0x1] =	stream.indirect_vreg.gather [hbm4b:s8+s2], $0x80, v3, vm0, $0xb8;
	[tilespmem:$0x10100] =	vst v63  }
0x33: {  	v3 =	vld [tilespmem:$0x10];
	_ =	sdelay $0x4  }
0x34: {  	v61 =	vshll.u32 v3, $0x3  }
0x35: {  	v3 =	vand.u32 $0x7, v3;
	v4 =	vand.u32 $0xFFFFFFC0, v61  }
0x36: {  	v3 =	vor.u32 v3, v4  }
0x37: {  	v4 =	vperm.xlane v3, v0;
	_ =	sdelay $0x1  }
0x38: {  	v4 =	vadd.s32 v1, v4;
	_ =	sdelay $0x3  }
0x39: {  	s29 =	simm.s32 $0x4100  }
0x3a: {  	[tilespmem:s29], [sflag:$0x1] =	stream.indirect_vreg.gather [hbm4b:s3+s2], $0x80, v4, vm0, $0xb8;
	[tilespmem:$0x10100] =	vst v63  }
0x3b: {  	s30 =	simm.s32 $0x4900;
	v3 =	vperm.xlane v3, v2  }
0x3c: {  	[tilespmem:s30], [sflag:$0x1] =	stream.indirect_vreg.gather [hbm4b:s6+s2], $0x80, v4, vm0, $0xb8;
	[tilespmem:$0x10100] =	vst v63  }
0x3d: {  	s31 =	simm.s32 $0x5100;
	v3 =	vadd.s32 v1, v3  }
0x3e: {  	[tilespmem:s31], [sflag:$0x1] =	stream.indirect_vreg.gather [hbm4b:s7+s2], $0x80, v4, vm0, $0xb8;
	[tilespmem:$0x10100] =	vst v63  }
0x3f: {  	s4 =	simm.s32 $0x5900  }
0x40: {  	[tilespmem:s4], [sflag:$0x1] =	stream.indirect_vreg.gather [hbm4b:s8+s2], $0x80, v4, vm0, $0xb8;
	[tilespmem:$0x10100] =	vst v63  }
0x41: {  	s5 =	simm.s32 $0x6100  }
0x42: {  	[tilespmem:s5], [sflag:$0x1] =	stream.indirect_vreg.gather [hbm4b:s3+s2], $0x80, v3, vm0, $0xb8;
	[tilespmem:$0x10100] =	vst v63  }
0x43: {  	s26 =	simm.s32 $0x6900  }
0x44: {  	[tilespmem:s26], [sflag:$0x1] =	stream.indirect_vreg.gather [hbm4b:s6+s2], $0x80, v3, vm0, $0xb8;
	[tilespmem:$0x10100] =	vst v63  }
0x45: {  	s28 =	simm.s32 $0x7100  }
0x46: {  	[tilespmem:s28], [sflag:$0x1] =	stream.indirect_vreg.gather [hbm4b:s7+s2], $0x80, v3, vm0, $0xb8;
	[tilespmem:$0x10100] =	vst v63  }
0x47: {  	s29 =	simm.s32 $0x7900  }
0x48: {  	[tilespmem:s29], [sflag:$0x1] =	stream.indirect_vreg.gather [hbm4b:s8+s2], $0x80, v3, vm0, $0xb8;
	[tilespmem:$0x10100] =	vst v63  }
0x49: {  	_ =	swait.ge [sflag:s1], $0x8000  }
0x4a: {  	[sflag:s1] =	ssyncset.done $0x0  }
0x4b: {  	[sflag:s1] =	ssyncadd.s32 $0xFFFF8000  }
0x4c: {  	v3 =	vld [tilespmem:$0x80];
	_ =	sdelay $0x4  }
0x4d: {  	v62 =	vshll.u32 v3, $0x3  }
0x4e: {  	v3 =	vand.u32 $0x7, v3;
	v4 =	vand.u32 $0xFFFFFFC0, v62  }
0x4f: {  	v3 =	vor.u32 v3, v4  }
0x50: {  	v4 =	vperm.xlane v3, v0;
	_ =	sdelay $0x1  }
0x51: {  	v4 =	vadd.s32 v1, v4;
	_ =	sdelay $0x3  }
0x52: {  	s30 =	simm.s32 $0x8100  }
0x53: {  	[tilespmem:s30], [sflag:$0x1] =	stream.indirect_vreg.gather [hbm4b:s3+s2], $0x80, v4, vm0, $0xb8;
	[tilespmem:$0x10100] =	vst v63  }
0x54: {  	s31 =	simm.s32 $0x8900;
	v3 =	vperm.xlane v3, v2  }
0x55: {  	[tilespmem:s31], [sflag:$0x1] =	stream.indirect_vreg.gather [hbm4b:s6+s2], $0x80, v4, vm0, $0xb8;
	[tilespmem:$0x10100] =	vst v63  }
0x56: {  	v3 =	vadd.s32 v1, v3  }
0x57: {  	[tilespmem:s9], [sflag:$0x1] =	stream.indirect_vreg.gather [hbm4b:s7+s2], $0x80, v4, vm0, $0xb8;
	[tilespmem:$0x10100] =	vst v63  }
0x58: {  	_ = 	snop  }
0x59: {  	[tilespmem:s10], [sflag:$0x1] =	stream.indirect_vreg.gather [hbm4b:s8+s2], $0x80, v4, vm0, $0xb8;
	[tilespmem:$0x10100] =	vst v63  }
0x5a: {  	_ = 	snop  }
0x5b: {  	[tilespmem:s15], [sflag:$0x1] =	stream.indirect_vreg.gather [hbm4b:s3+s2], $0x80, v3, vm0, $0xb8;
	[tilespmem:$0x10100] =	vst v63  }
0x5c: {  	_ = 	snop  }
0x5d: {  	[tilespmem:s11], [sflag:$0x1] =	stream.indirect_vreg.gather [hbm4b:s6+s2], $0x80, v3, vm0, $0xb8;
	[tilespmem:$0x10100] =	vst v63  }
0x5e: {  	_ = 	snop  }
0x5f: {  	[tilespmem:s17], [sflag:$0x1] =	stream.indirect_vreg.gather [hbm4b:s7+s2], $0x80, v3, vm0, $0xb8;
	[tilespmem:$0x10100] =	vst v63  }
0x60: {  	_ = 	snop  }
0x61: {  	[tilespmem:s12], [sflag:$0x1] =	stream.indirect_vreg.gather [hbm4b:s8+s2], $0x80, v3, vm0, $0xb8;
	[tilespmem:$0x10100] =	vst v63  }
0x62: {  	v3 =	vld [tilespmem:$0x90];
	_ =	sdelay $0x4  }
0x63: {  	v63 =	vshll.u32 v3, $0x3  }
0x64: {  	v3 =	vand.u32 $0x7, v3;
	v4 =	vand.u32 $0xFFFFFFC0, v63  }
0x65: {  	v3 =	vor.u32 v3, v4  }
0x66: {  	v4 =	vperm.xlane v3, v0;
	_ =	sdelay $0x1  }
0x67: {  	v4 =	vadd.s32 v1, v4;
	_ =	sdelay $0x4  }
0x68: {  	[tilespmem:s18], [sflag:$0x1] =	stream.indirect_vreg.gather [hbm4b:s3+s2], $0x80, v4, vm0, $0xb8;
	[tilespmem:$0x10100] =	vst v63  }
0x69: {  	v3 =	vperm.xlane v3, v2  }
0x6a: {  	[tilespmem:s13], [sflag:$0x1] =	stream.indirect_vreg.gather [hbm4b:s6+s2], $0x80, v4, vm0, $0xb8;
	[tilespmem:$0x10100] =	vst v63  }
0x6b: {  	v3 =	vadd.s32 v1, v3  }
0x6c: {  	[tilespmem:s19], [sflag:$0x1] =	stream.indirect_vreg.gather [hbm4b:s7+s2], $0x80, v4, vm0, $0xb8;
	[tilespmem:$0x10100] =	vst v63  }
0x6d: {  	_ = 	snop  }
0x6e: {  	[tilespmem:s20], [sflag:$0x1] =	stream.indirect_vreg.gather [hbm4b:s8+s2], $0x80, v4, vm0, $0xb8;
	[tilespmem:$0x10100] =	vst v63  }
0x6f: {  	_ = 	snop  }
0x70: {  	[tilespmem:s21], [sflag:$0x1] =	stream.indirect_vreg.gather [hbm4b:s3+s2], $0x80, v3, vm0, $0xb8;
	[tilespmem:$0x10100] =	vst v63  }
0x71: {  	_ = 	snop  }
0x72: {  	[tilespmem:s22], [sflag:$0x1] =	stream.indirect_vreg.gather [hbm4b:s6+s2], $0x80, v3, vm0, $0xb8;
	[tilespmem:$0x10100] =	vst v63  }
0x73: {  	_ = 	snop  }
0x74: {  	[tilespmem:s23], [sflag:$0x1] =	stream.indirect_vreg.gather [hbm4b:s7+s2], $0x80, v3, vm0, $0xb8;
	[tilespmem:$0x10100] =	vst v63  }
0x75: {  	_ = 	snop  }
0x76: {  	[tilespmem:s24], [sflag:$0x1] =	stream.indirect_vreg.gather [hbm4b:s8+s2], $0x80, v3, vm0, $0xb8;
	[tilespmem:$0x10100] =	vst v63  }
0x77: {  	_ =	swait.ge [sflag:s1], $0x8000  }
0x78: {  	[sflag:s1] =	ssyncset.done $0x0  }
0x79: {  	s26 =	simm.s32 $0x0;
	[sflag:s1] =	ssyncadd.s32 $0xFFFF8000  }
.LBB2_2:
0x7a: {  	s0 =	sshll.u32 s26, $0xA;
	s4 =	sshll.u32 s26, $0x7  }
0x7b: {  	s5 =	simm.s32 $0x0;
	s0 =	sand.u32 $0x6000, s0;
	s4 =	sand.u32 $0x380, s4  }
0x7c: {  	s28 =	sor.u32 s0, s4;
	s4 =	sand.u32 $0x1C00, s5  }
0x7d: {  	s5 =	sand.u32 $0x70, s5;
	s0 =	sor.u32 s4, s28  }
0x7e: {  	s29 =	sor.u32 s5, s0  }
0x7f: {  	v3 =	vld [tilespmem:s29+$0x8100]  }
0x80: {  	v4 =	vld [tilespmem:s29+$0x100];
	_ =	sdelay $0x2  }
0x81: {  	s30 =	simm.s32 $0x80  }
0x82: {  	s4 =	simm.s32 $0x10;
	s5 =	sand.u32 $0x1C00, s30  }
0x83: {  	s31 =	simm.s32 $0x20;
	s0 =	sand.u32 $0x70, s4;
	s4 =	sor.u32 s5, s28;
	v3 =	vadd.f32 v3, v4  }
.LBB2_3:
0x84: {  	p0 =	sne.s32 s31, $0x3F0;
	s0 =	sor.u32 s0, s4  }
0x85: {  	v4 =	vld [tilespmem:s0+$0x8100];
	[tilespmem:s29+$0x100] =	vst v3;
	s29 =	smov.u32 s0  }
0x86: {  	v3 =	vld [tilespmem:s29+$0x100]  }
.Ltmp0:
0x87: {  	(pc) =	sbr.rel @p0 .LBB2_3-.Ltmp0, $4  }
0x88: {  	_ = 	snop  }
0x89: {  	s30 =	sadd.s32 $0x80, s30  }
0x8a: {  	s4 =	sand.u32 $0x1C00, s30  }
0x8b: {  	s0 =	sand.u32 $0x70, s31;
	s31 =	sadd.s32 $0x10, s31;
	s4 =	sor.u32 s4, s28;
	v3 =	vadd.f32 v4, v3  }
0x8c: {  	s0 =	sor.u32 s0, s4  }
0x8d: {  	v4 =	vld [tilespmem:s0+$0x8100];
	[tilespmem:s29+$0x100] =	vst v3  }
0x8e: {  	v3 =	vld [tilespmem:s0+$0x100]  }
0x8f: {  	s26 =	sadd.s32 $0x1, s26  }
0x90: {  	p0 =	sne.s32 s26, $0x20  }
.Ltmp1:
0x91: {  	_ = 	snop;
	(pc) =	sbr.rel @p0 .LBB2_2-.Ltmp1, $3  }
0x92: {  	_ = 	snop  }
0x93: {  	v3 =	vadd.f32 v4, v3;
	_ =	sdelay $0x1  }
0x94: {  	[tilespmem:s0+$0x100] =	vst v3  }
0x95: {  	s26 =	simm.s32 $0x0;
	s0 =	rddreg [dreg:$0x5]  }
0x96: {  	[hbm4b:s0+s26] =	stream.linear.scatter [tilespmem:s16], [sflag:$0x2], $0x8000, $0x38;
	[tilespmem:$0x10100] =	vst v63  }
0x97: {  	_ =	swait.ge [sflag:s14], $0x8000  }
0x98: {  	[sflag:s14] =	ssyncset.done $0x0  }
0x99: {  	s5 =	rddreg [dreg:$0x6];
	[sflag:s14] =	ssyncadd.s32 $0xFFFF8000  }
0x9a: {  	[tilespmem:s26], [sflag:$0x2] =	stream.linear.gather [hbm4b:s5+s26], $0x20, $0x38;
	[tilespmem:$0x10100] =	vst v63  }
0x9b: {  	_ =	swait.ge [sflag:s14], $0x20  }
0x9c: {  	[sflag:s14] =	ssyncset.done $0x0  }
0x9d: {  	s4 =	simm.s32 $0x80;
	s29 =	rddreg [dreg:$0x7];
	[sflag:s14] =	ssyncadd.s32 $0xFFFFFFE0  }
0x9e: {  	[tilespmem:s4], [sflag:$0x2] =	stream.linear.gather [hbm4b:s29+s26], $0x20, $0x38;
	[tilespmem:$0x10100] =	vst v63  }
0x9f: {  	_ =	swait.ge [sflag:s14], $0x20  }
0xa0: {  	[sflag:s14] =	ssyncset.done $0x0  }
0xa1: {  	[sflag:s14] =	ssyncadd.s32 $0xFFFFFFE0  }
0xa2: {  	v3 =	vld [tilespmem:$0x0];
	_ =	sdelay $0x4  }
0xa3: {  	v4 =	vshll.u32 v3, $0x3  }
0xa4: {  	v3 =	vand.u32 $0x7, v3;
	v4 =	vand.u32 $0xFFFFFFC0, v4  }
0xa5: {  	v3 =	vor.u32 v3, v4  }
0xa6: {  	v4 =	vperm.xlane v3, v0;
	_ =	sdelay $0x1  }
0xa7: {  	v4 =	vadd.s32 v1, v4;
	_ =	sdelay $0x4  }
0xa8: {  	[tilespmem:s16], [sflag:$0x1] =	stream.indirect_vreg.gather [hbm4b:s3+s26], $0x80, v4, vm0, $0xb8;
	[tilespmem:$0x10100] =	vst v63  }
0xa9: {  	s30 =	simm.s32 $0x900;
	v3 =	vperm.xlane v3, v2  }
0xaa: {  	[tilespmem:s30], [sflag:$0x1] =	stream.indirect_vreg.gather [hbm4b:s6+s26], $0x80, v4, vm0, $0xb8;
	[tilespmem:$0x10100] =	vst v63  }
0xab: {  	s31 =	simm.s32 $0x1100;
	v3 =	vadd.s32 v1, v3  }
0xac: {  	[tilespmem:s31], [sflag:$0x1] =	stream.indirect_vreg.gather [hbm4b:s7+s26], $0x80, v4, vm0, $0xb8;
	[tilespmem:$0x10100] =	vst v63  }
0xad: {  	s4 =	simm.s32 $0x1900  }
0xae: {  	[tilespmem:s4], [sflag:$0x1] =	stream.indirect_vreg.gather [hbm4b:s8+s26], $0x80, v4, vm0, $0xb8;
	[tilespmem:$0x10100] =	vst v63  }
0xaf: {  	s5 =	simm.s32 $0x2100  }
0xb0: {  	[tilespmem:s5], [sflag:$0x1] =	stream.indirect_vreg.gather [hbm4b:s3+s26], $0x80, v3, vm0, $0xb8;
	[tilespmem:$0x10100] =	vst v63  }
0xb1: {  	s29 =	simm.s32 $0x2900  }
0xb2: {  	[tilespmem:s29], [sflag:$0x1] =	stream.indirect_vreg.gather [hbm4b:s6+s26], $0x80, v3, vm0, $0xb8;
	[tilespmem:$0x10100] =	vst v63  }
0xb3: {  	s30 =	simm.s32 $0x3100  }
0xb4: {  	[tilespmem:s30], [sflag:$0x1] =	stream.indirect_vreg.gather [hbm4b:s7+s26], $0x80, v3, vm0, $0xb8;
	[tilespmem:$0x10100] =	vst v63  }
0xb5: {  	s31 =	simm.s32 $0x3900  }
0xb6: {  	[tilespmem:s31], [sflag:$0x1] =	stream.indirect_vreg.gather [hbm4b:s8+s26], $0x80, v3, vm0, $0xb8;
	[tilespmem:$0x10100] =	vst v63  }
0xb7: {  	v3 =	vld [tilespmem:$0x10];
	_ =	sdelay $0x4  }
0xb8: {  	v61 =	vshll.u32 v3, $0x3  }
0xb9: {  	v3 =	vand.u32 $0x7, v3;
	v4 =	vand.u32 $0xFFFFFFC0, v61  }
0xba: {  	v3 =	vor.u32 v3, v4  }
0xbb: {  	v4 =	vperm.xlane v3, v0;
	_ =	sdelay $0x1  }
0xbc: {  	v4 =	vadd.s32 v1, v4;
	_ =	sdelay $0x3  }
0xbd: {  	s4 =	simm.s32 $0x4100  }
0xbe: {  	[tilespmem:s4], [sflag:$0x1] =	stream.indirect_vreg.gather [hbm4b:s3+s26], $0x80, v4, vm0, $0xb8;
	[tilespmem:$0x10100] =	vst v63  }
0xbf: {  	s5 =	simm.s32 $0x4900;
	v3 =	vperm.xlane v3, v2  }
0xc0: {  	[tilespmem:s5], [sflag:$0x1] =	stream.indirect_vreg.gather [hbm4b:s6+s26], $0x80, v4, vm0, $0xb8;
	[tilespmem:$0x10100] =	vst v63  }
0xc1: {  	s29 =	simm.s32 $0x5100;
	v3 =	vadd.s32 v1, v3  }
0xc2: {  	[tilespmem:s29], [sflag:$0x1] =	stream.indirect_vreg.gather [hbm4b:s7+s26], $0x80, v4, vm0, $0xb8;
	[tilespmem:$0x10100] =	vst v63  }
0xc3: {  	s30 =	simm.s32 $0x5900  }
0xc4: {  	[tilespmem:s30], [sflag:$0x1] =	stream.indirect_vreg.gather [hbm4b:s8+s26], $0x80, v4, vm0, $0xb8;
	[tilespmem:$0x10100] =	vst v63  }
0xc5: {  	s31 =	simm.s32 $0x6100  }
0xc6: {  	[tilespmem:s31], [sflag:$0x1] =	stream.indirect_vreg.gather [hbm4b:s3+s26], $0x80, v3, vm0, $0xb8;
	[tilespmem:$0x10100] =	vst v63  }
0xc7: {  	s4 =	simm.s32 $0x6900  }
0xc8: {  	[tilespmem:s4], [sflag:$0x1] =	stream.indirect_vreg.gather [hbm4b:s6+s26], $0x80, v3, vm0, $0xb8;
	[tilespmem:$0x10100] =	vst v63  }
0xc9: {  	s5 =	simm.s32 $0x7100  }
0xca: {  	[tilespmem:s5], [sflag:$0x1] =	stream.indirect_vreg.gather [hbm4b:s7+s26], $0x80, v3, vm0, $0xb8;
	[tilespmem:$0x10100] =	vst v63  }
0xcb: {  	s29 =	simm.s32 $0x7900  }
0xcc: {  	[tilespmem:s29], [sflag:$0x1] =	stream.indirect_vreg.gather [hbm4b:s8+s26], $0x80, v3, vm0, $0xb8;
	[tilespmem:$0x10100] =	vst v63  }
0xcd: {  	_ =	swait.ge [sflag:s1], $0x8000  }
0xce: {  	[sflag:s1] =	ssyncset.done $0x0  }
0xcf: {  	[sflag:s1] =	ssyncadd.s32 $0xFFFF8000  }
0xd0: {  	v3 =	vld [tilespmem:$0x80];
	_ =	sdelay $0x4  }
0xd1: {  	v62 =	vshll.u32 v3, $0x3  }
0xd2: {  	v3 =	vand.u32 $0x7, v3;
	v4 =	vand.u32 $0xFFFFFFC0, v62  }
0xd3: {  	v3 =	vor.u32 v3, v4  }
0xd4: {  	v4 =	vperm.xlane v3, v0;
	_ =	sdelay $0x1  }
0xd5: {  	v4 =	vadd.s32 v1, v4;
	_ =	sdelay $0x3  }
0xd6: {  	s30 =	simm.s32 $0x8100  }
0xd7: {  	[tilespmem:s30], [sflag:$0x1] =	stream.indirect_vreg.gather [hbm4b:s3+s26], $0x80, v4, vm0, $0xb8;
	[tilespmem:$0x10100] =	vst v63  }
0xd8: {  	s31 =	simm.s32 $0x8900;
	v3 =	vperm.xlane v3, v2  }
0xd9: {  	[tilespmem:s31], [sflag:$0x1] =	stream.indirect_vreg.gather [hbm4b:s6+s26], $0x80, v4, vm0, $0xb8;
	[tilespmem:$0x10100] =	vst v63  }
0xda: {  	v3 =	vadd.s32 v1, v3  }
0xdb: {  	[tilespmem:s9], [sflag:$0x1] =	stream.indirect_vreg.gather [hbm4b:s7+s26], $0x80, v4, vm0, $0xb8;
	[tilespmem:$0x10100] =	vst v63  }
0xdc: {  	_ = 	snop  }
0xdd: {  	[tilespmem:s10], [sflag:$0x1] =	stream.indirect_vreg.gather [hbm4b:s8+s26], $0x80, v4, vm0, $0xb8;
	[tilespmem:$0x10100] =	vst v63  }
0xde: {  	_ = 	snop  }
0xdf: {  	[tilespmem:s15], [sflag:$0x1] =	stream.indirect_vreg.gather [hbm4b:s3+s26], $0x80, v3, vm0, $0xb8;
	[tilespmem:$0x10100] =	vst v63  }
0xe0: {  	_ = 	snop  }
0xe1: {  	[tilespmem:s11], [sflag:$0x1] =	stream.indirect_vreg.gather [hbm4b:s6+s26], $0x80, v3, vm0, $0xb8;
	[tilespmem:$0x10100] =	vst v63  }
0xe2: {  	_ = 	snop  }
0xe3: {  	[tilespmem:s17], [sflag:$0x1] =	stream.indirect_vreg.gather [hbm4b:s7+s26], $0x80, v3, vm0, $0xb8;
	[tilespmem:$0x10100] =	vst v63  }
0xe4: {  	_ = 	snop  }
0xe5: {  	[tilespmem:s12], [sflag:$0x1] =	stream.indirect_vreg.gather [hbm4b:s8+s26], $0x80, v3, vm0, $0xb8;
	[tilespmem:$0x10100] =	vst v63  }
0xe6: {  	v3 =	vld [tilespmem:$0x90];
	_ =	sdelay $0x4  }
0xe7: {  	v63 =	vshll.u32 v3, $0x3  }
0xe8: {  	v3 =	vand.u32 $0x7, v3;
	v4 =	vand.u32 $0xFFFFFFC0, v63  }
0xe9: {  	v3 =	vor.u32 v3, v4  }
0xea: {  	v4 =	vperm.xlane v3, v0;
	_ =	sdelay $0x1  }
0xeb: {  	v4 =	vadd.s32 v1, v4;
	_ =	sdelay $0x4  }
0xec: {  	[tilespmem:s18], [sflag:$0x1] =	stream.indirect_vreg.gather [hbm4b:s3+s26], $0x80, v4, vm0, $0xb8;
	[tilespmem:$0x10100] =	vst v63  }
0xed: {  	v3 =	vperm.xlane v3, v2  }
0xee: {  	[tilespmem:s13], [sflag:$0x1] =	stream.indirect_vreg.gather [hbm4b:s6+s26], $0x80, v4, vm0, $0xb8;
	[tilespmem:$0x10100] =	vst v63  }
0xef: {  	v3 =	vadd.s32 v1, v3  }
0xf0: {  	[tilespmem:s19], [sflag:$0x1] =	stream.indirect_vreg.gather [hbm4b:s7+s26], $0x80, v4, vm0, $0xb8;
	[tilespmem:$0x10100] =	vst v63  }
0xf1: {  	_ = 	snop  }
0xf2: {  	[tilespmem:s20], [sflag:$0x1] =	stream.indirect_vreg.gather [hbm4b:s8+s26], $0x80, v4, vm0, $0xb8;
	[tilespmem:$0x10100] =	vst v63  }
0xf3: {  	_ = 	snop  }
0xf4: {  	[tilespmem:s21], [sflag:$0x1] =	stream.indirect_vreg.gather [hbm4b:s3+s26], $0x80, v3, vm0, $0xb8;
	[tilespmem:$0x10100] =	vst v63  }
0xf5: {  	_ = 	snop  }
0xf6: {  	[tilespmem:s22], [sflag:$0x1] =	stream.indirect_vreg.gather [hbm4b:s6+s26], $0x80, v3, vm0, $0xb8;
	[tilespmem:$0x10100] =	vst v63  }
0xf7: {  	_ = 	snop  }
0xf8: {  	[tilespmem:s23], [sflag:$0x1] =	stream.indirect_vreg.gather [hbm4b:s7+s26], $0x80, v3, vm0, $0xb8;
	[tilespmem:$0x10100] =	vst v63  }
0xf9: {  	_ = 	snop  }
0xfa: {  	[tilespmem:s24], [sflag:$0x1] =	stream.indirect_vreg.gather [hbm4b:s8+s26], $0x80, v3, vm0, $0xb8;
	[tilespmem:$0x10100] =	vst v63  }
0xfb: {  	_ =	swait.ge [sflag:s1], $0x8000  }
0xfc: {  	[sflag:s1] =	ssyncset.done $0x0  }
0xfd: {  	s28 =	simm.s32 $0x0;
	[sflag:s1] =	ssyncadd.s32 $0xFFFF8000  }
.LBB2_6:
0xfe: {  	s0 =	sshll.u32 s28, $0xA;
	s4 =	sshll.u32 s28, $0x7  }
0xff: {  	s0 =	sand.u32 $0x6000, s0;
	s4 =	sand.u32 $0x380, s4  }
0x100: {  	s29 =	sor.u32 s0, s4;
	s4 =	sand.u32 $0x1C00, s26  }
0x101: {  	s5 =	sand.u32 $0x70, s26;
	s0 =	sor.u32 s4, s29  }
0x102: {  	s30 =	sor.u32 s5, s0  }
0x103: {  	v3 =	vld [tilespmem:s30+$0x8100]  }
0x104: {  	v4 =	vld [tilespmem:s30+$0x100];
	_ =	sdelay $0x2  }
0x105: {  	s31 =	simm.s32 $0x80  }
0x106: {  	s4 =	simm.s32 $0x10;
	s5 =	sand.u32 $0x1C00, s31  }
0x107: {  	s4 =	sand.u32 $0x70, s4;
	s0 =	simm.s32 $0x20;
	s5 =	sor.u32 s5, s29;
	v3 =	vadd.f32 v3, v4  }
.LBB2_7:
0x108: {  	p0 =	sne.s32 s0, $0x3F0;
	s4 =	sor.u32 s4, s5  }
0x109: {  	v4 =	vld [tilespmem:s4+$0x8100];
	[tilespmem:s30+$0x100] =	vst v3;
	s30 =	smov.u32 s4  }
0x10a: {  	v3 =	vld [tilespmem:s30+$0x100]  }
.Ltmp2:
0x10b: {  	(pc) =	sbr.rel @p0 .LBB2_7-.Ltmp2, $4  }
0x10c: {  	_ = 	snop  }
0x10d: {  	s31 =	sadd.s32 $0x80, s31  }
0x10e: {  	s5 =	sand.u32 $0x1C00, s31  }
0x10f: {  	s4 =	sand.u32 $0x70, s0;
	s0 =	sadd.s32 $0x10, s0;
	s5 =	sor.u32 s5, s29;
	v3 =	vadd.f32 v4, v3  }
0x110: {  	s0 =	sor.u32 s4, s5  }
0x111: {  	v4 =	vld [tilespmem:s0+$0x8100];
	[tilespmem:s30+$0x100] =	vst v3  }
0x112: {  	v3 =	vld [tilespmem:s0+$0x100]  }
0x113: {  	s28 =	sadd.s32 $0x1, s28  }
0x114: {  	p0 =	sne.s32 s28, $0x20  }
.Ltmp3:
0x115: {  	_ = 	snop;
	(pc) =	sbr.rel @p0 .LBB2_6-.Ltmp3, $3  }
0x116: {  	_ = 	snop  }
0x117: {  	v3 =	vadd.f32 v4, v3;
	_ =	sdelay $0x1  }
0x118: {  	[tilespmem:s0+$0x100] =	vst v3  }
0x119: {  	s0 =	rddreg [dreg:$0x8]  }
0x11a: {  	[hbm4b:s0+s2] =	stream.linear.scatter [tilespmem:s16], [sflag:$0x2], $0x8000, $0x38;
	[tilespmem:$0x10100] =	vst v63  }
0x11b: {  	_ =	swait.ge [sflag:s14], $0x8000  }
0x11c: {  	s25 =	sadd.s32 $0x1, s25;
	s31 =	rddreg [dreg:$0x9]  }
0x11d: {  	p0 =	sne.s32 s25, s31  }
.Ltmp4:
0x11e: {  	_ = 	snop;
	(pc) =	sbr.rel @p0 .LBB2_1-.Ltmp4, $3  }
0x11f: {  	_ =	sdelay $0x1  }
0x120: {  	[sflag:s14] =	ssyncset.done $0x0  }
0x121: {  	[sflag:s14] =	ssyncadd.s32 $0xFFFF8000  }
0x122: {  	_ =	sfence.sel $0x180000  }
0x123: {  	[bflag:$0x0] =	sbarrier.arrive $0xFFFF  }
0x124: {  	_ =	strace $0x9000004A  }
0x125: {  	s0 =	stileid.u32;
	[bflag:$0x2] =	sbarrier.arrive $0xFFFF  }
0x126: {  	p0 =	sne.s32 s0, $0x0;
	s0 =	rddreg [dreg:$0x2]  }
0x127: {  	s0 =	sadd.s32 @!p0 $0x100000, s0  }
0x128: {  	[sflag:s0] =	ssyncadd.tile.s32 @!p0 $0x1;
	_ =	shalt  }
.Lfunc_end2:
_tile_overlayer_lowered:
.L_overlay_start_2:
0x129: {  	(tag) =	ssettag $0x2  }
0x12a: {  	s0 =	rddreg [dreg:$0x0];
	s2 =	stileid.u32  }
0x12b: {  	s1 =	rddreg [dreg:$0x1];
	p0 =	sne.s32 s2, $0x0  }
0x12c: {  	s3 =	rddreg [dreg:$0x2];
	[bflag:$0x3] =	sbarrier.arrive $0xFFFF;
	s2 =	simm.s32 @!p0 $0x1C02  }
0x12d: {  	[timem:s3], [sflag:s2] =	dma.local @!p0 [hbm:s0], s1  }
0x12e: {  	s0 =	simm.s32 @!p0 $0x2  }
0x12f: {  	_ =	swait.ge @!p0 [sflag:s0], s1  }
0x130: {  	s1 =	ssub.s32 @!p0 $0x0, s1;
	[sflag:s0] =	ssyncset.done @!p0 $0x0  }
0x131: {  	[sflag:s0] =	ssyncadd.s32 @!p0 s1  }
0x132: {  	[bflag:$0x3] =	sbarrier.arrive $0xFFFF  }
0x133: {  	_ =	shalt  }

// kernel: kernel.7.cloned.1.call-start
scs
__scs_entry_jumppad:
0x0: {  	(pc) =	sbr.rel $0x88, $3  }
0x1: {  	(tag) =	ssettag $0x0;
	lr =	simm.s32 $0x1  }
0x2: {  	[smem:$0x3F9C] =	sst lr;
	_ =	strace $0xD0000000  }
0x3: {  	_ = 	snop  }
0x4: {  	_ = 	snop  }
0x5: {  	_ = 	snop  }
0x6: {  	_ = 	snop  }
0x7: {  	_ = 	snop  }
__scs_overlays_trampoline_lowered:
0x8: {  	[smem:$0x3FAB] =	sst s0  }
0x9: {  	[smem:$0x3FAC] =	sst s1  }
0xa: {  	[smem:$0x3FAD] =	sst s2  }
0xb: {  	[smem:$0x3FAE] =	sst s3  }
0xc: {  	[smem:$0x3FAF] =	sst s4  }
0xd: {  	[smem:$0x3FB0] =	sst s5  }
0xe: {  	[smem:$0x3FB1] =	sst s6  }
0xf: {  	[smem:$0x3FB2] =	sst s7  }
0x10: {  	[smem:$0x3FB3] =	sst s8  }
0x11: {  	[smem:$0x3FB4] =	sst s9;
	s0 =	simm.s32 @!p0 $0x0  }
0x12: {  	s1 =	sld [smem:$0x3F9A];
	s0 =	simm.s32 @p0 $0x1  }
0x13: {  	[smem:$0x3FB5] =	sst s0;
	s0 =	simm.s32 @!p1 $0x0  }
0x14: {  	s2 =	sld [smem:$0x3F99];
	s0 =	simm.s32 @p1 $0x1  }
0x15: {  	[smem:$0x3FB6] =	sst s0;
	s0 =	simm.s32 @!p2 $0x0  }
0x16: {  	s3 =	sld [smem:$0x3FDB];
	s0 =	simm.s32 @p2 $0x1  }
0x17: {  	s4 =	simm.s32 $0x1BF5;
	[smem:$0x3FB8] =	sst s0  }
0x18: {  	s0 =	sld [smem:$0x3F9B];
	_ =	swait.ge [sflag:s4], $0x0  }
0x19: {  	s7 =	sld [smem:$0x3F9C]  }
0x1a: {  	s8 =	sadd.s32 $0xFFFFE003, lr  }
0x1b: {  	s9 =	sadd.s32 $0xFFFFFEF7, lr;
	s5 =	simm.s32 $0xFFFFFFFF;
	p2 =	slt.u32 s8, $0xFFFFF086  }
0x1c: {  	p1 =	slt.u32 s9, $0xF7A;
	s5 =	simm.s32 @!p2 $0x0  }
0x1d: {  	s5 =	simm.s32 @p1 $0x1;
	p0 =	seq.s32 s7, s2  }
0x1e: {  	s7 =	smul.u32 @!p0 $0xF7A, s2;
	p2 =	seq.s32 @!p0 s5, $0x0  }
0x1f: {  	s9 =	smul.u32 $0xF7A, s1;
	s8 =	simm.s32 @!p0 $0x1BF5;
	p2 =	por !p2, p0  }
0x20: {  	[sflag:s8] =	ssyncset.s32 @!p0 $0xFFFFF086;
	s6 =	sadd.s32 @!p0 s3, s7;
	s7 =	simm.s32 @!p0 $0x108  }
0x21: {  	s3 =	sadd.s32 s3, s9;
	s6 =	sadd.s32 @!p0 $0x88, s6;
	s7 =	simm.s32 @p2 $0x1082  }
0x22: {  	[simem:s7], [sflag:s8] =	dma.local @!p0 [hbm:s6], $0xF7A  }
0x23: {  	s9 =	sor.u32 $0xD0000000, s2;
	s6 =	simm.s32 $0x108;
	_ =	swait.ge @!p0 [sflag:s8], $0x0  }
0x24: {  	s3 =	sadd.s32 $0x88, s3;
	s6 =	simm.s32 @!p1 $0x1082;
	[sflag:s4] =	ssyncset.s32 $0xFFFFF086  }
0x25: {  	[simem:s6], [sflag:s4] =	dma.local [hbm:s3], $0xF7A  }
0x26: {  	[smem:$0x3F9C] =	sst s1;
	(tag) =	ssettag s2;
	_ =	strace s9  }
0x27: {  	s1 =	sld [smem:$0x3FAC]  }
0x28: {  	s2 =	sld [smem:$0x3FAD]  }
0x29: {  	s4 =	sld [smem:$0x3FAF]  }
0x2a: {  	p0 =	seq.s32 s5, $0x0;
	s5 =	sld [smem:$0x3FB0]  }
0x2b: {  	s6 =	sld [smem:$0x3FB1]  }
0x2c: {  	s7 =	sld [smem:$0x3FB2]  }
0x2d: {  	s3 =	simm.s32 $0x108;
	s8 =	sld [smem:$0x3FB3]  }
0x2e: {  	s3 =	simm.s32 @!p0 $0x1082;
	s9 =	sld [smem:$0x3FB4]  }
0x2f: {  	lr =	sadd.s32 s0, s3;
	s0 =	sld [smem:$0x3FAB]  }
0x30: {  	s3 =	sld [smem:$0x3FAE]  }
0x31: {  	[smem:$0x3FB7] =	sst s10  }
0x32: {  	s10 =	sld [smem:$0x3FB5];
	_ =	sdelay $0x3  }
0x33: {  	p0 =	seq.s32 s10, $0x1;
	s10 =	sld [smem:$0x3FB7];
	_ =	sdelay $0x3  }
0x34: {  	[smem:$0x3FB7] =	sst s10  }
0x35: {  	s10 =	sld [smem:$0x3FB6];
	_ =	sdelay $0x3  }
0x36: {  	p1 =	seq.s32 s10, $0x1;
	s10 =	sld [smem:$0x3FB7];
	_ =	sdelay $0x3  }
0x37: {  	[smem:$0x3FB7] =	sst s10  }
0x38: {  	s10 =	sld [smem:$0x3FB8]  }
0x39: {  	_ = 	snop;
	(pc) =	sbr.ind lr, $3  }
0x3a: {  	_ = 	snop  }
0x3b: {  	_ = 	snop  }
0x3c: {  	p2 =	seq.s32 s10, $0x1;
	s10 =	sld [smem:$0x3FB7]  }
0x3d: {  	_ =	shalt  }
0x3e: {  	_ =	shalt  }
0x3f: {  	_ =	shalt  }
0x40: {  	_ =	shalt  }
0x41: {  	_ =	shalt  }
0x42: {  	_ =	shalt  }
0x43: {  	_ =	shalt  }
0x44: {  	_ =	shalt  }
0x45: {  	_ =	shalt  }
0x46: {  	_ =	shalt  }
0x47: {  	_ =	shalt  }
0x48: {  	_ =	shalt  }
0x49: {  	_ =	shalt  }
0x4a: {  	_ =	shalt  }
0x4b: {  	_ =	shalt  }
0x4c: {  	_ =	shalt  }
0x4d: {  	_ =	shalt  }
0x4e: {  	_ =	shalt  }
0x4f: {  	_ =	shalt  }
0x50: {  	_ =	shalt  }
0x51: {  	_ =	shalt  }
0x52: {  	_ =	shalt  }
0x53: {  	_ =	shalt  }
0x54: {  	_ =	shalt  }
0x55: {  	_ =	shalt  }
0x56: {  	_ =	shalt  }
0x57: {  	_ =	shalt  }
0x58: {  	_ =	shalt  }
0x59: {  	_ =	shalt  }
0x5a: {  	_ =	shalt  }
0x5b: {  	_ =	shalt  }
0x5c: {  	_ =	shalt  }
0x5d: {  	_ =	shalt  }
0x5e: {  	_ =	shalt  }
0x5f: {  	_ =	shalt  }
0x60: {  	_ =	shalt  }
0x61: {  	_ =	shalt  }
0x62: {  	_ =	shalt  }
0x63: {  	_ =	shalt  }
0x64: {  	_ =	shalt  }
0x65: {  	_ =	shalt  }
0x66: {  	_ =	shalt  }
0x67: {  	_ =	shalt  }
0x68: {  	_ =	shalt  }
0x69: {  	_ =	shalt  }
0x6a: {  	_ =	shalt  }
0x6b: {  	_ =	shalt  }
0x6c: {  	_ =	shalt  }
0x6d: {  	_ =	shalt  }
0x6e: {  	_ =	shalt  }
0x6f: {  	_ =	shalt  }
0x70: {  	_ =	shalt  }
0x71: {  	_ =	shalt  }
0x72: {  	_ =	shalt  }
0x73: {  	_ =	shalt  }
0x74: {  	_ =	shalt  }
0x75: {  	_ =	shalt  }
0x76: {  	_ =	shalt  }
0x77: {  	_ =	shalt  }
0x78: {  	_ =	shalt  }
0x79: {  	_ =	shalt  }
0x7a: {  	_ =	shalt  }
0x7b: {  	_ =	shalt  }
0x7c: {  	_ =	shalt  }
0x7d: {  	_ =	shalt  }
0x7e: {  	_ =	shalt  }
0x7f: {  	_ =	shalt  }
0x80: {  	_ =	shalt  }
0x81: {  	_ =	shalt  }
0x82: {  	_ =	shalt  }
0x83: {  	_ =	shalt  }
0x84: {  	_ =	shalt  }
0x85: {  	_ =	shalt  }
0x86: {  	_ =	shalt  }
0x87: {  	_ =	shalt  }
.Lfunc_end0:
.L_simem_size_0:
called_computation_lowered:
.L_overlay_start_0:
0x88: {  	s2 =	sld [smem:$0x3FD9]  }
0x89: {  	s3 =	sld [smem:$0x3FFE];
	_ =	sdelay $0x1  }
0x8a: {  	s1 =	srdreg.scid  }
0x8b: {  	s0 =	sand.u32 $0x1, s1  }
0x8c: {  	s17 =	sshll.u32 s0, $0xA;
	s2 =	sadd.s32 s3, s2  }
0x8d: {  	s2 =	sadd.s32 s2, s17  }
0x8e: {  	[smem:$0x3FC3] =	sst s2  }
0x8f: {  	_ = 	snop  }
0x90: {  	s2 =	sld [smem:$0x3FC9]  }
0x91: {  	s18 =	sld [smem:$0x3FD0];
	(tm) =	ssettm $0x1  }
0x92: {  	s4 =	sld [smem:$0x3FFB];
	_ =	sdelay $0x3  }
0x93: {  	_ =	strace s4  }
0x94: {  	s4 =	sld [smem:$0x3FFC];
	_ =	sdelay $0x3  }
0x95: {  	_ =	strace s4  }
0x96: {  	s4 =	sld [smem:$0x3FFD];
	_ =	sdelay $0x3  }
0x97: {  	_ =	strace s4  }
0x98: {  	_ =	strace $0x8FFFFFFF  }
0x99: {  	s19 =	sld [smem:$0x3FDB];
	_ =	sdelay $0x1  }
0x9a: {  	s5 =	simm.s32 $_scs_section_size  }
0x9b: {  	s6 =	simm.s32 $_size__tile_overlayer_lowered;
	s7 =	simm.s32 $_tile_overlayer_lowered  }
0x9c: {  	s22 =	simm.s32 $0x1BFF;
	s21 =	sshll.u32 s7, $0x1;
	s4 =	sadd.s32 s5, s19  }
0x9d: {  	s8 =	simm.s32 $0x0;
	s20 =	sshll.u32 s6, $0x1;
	s6 =	sadd.s32 s21, s4  }
0x9e: {  	[timem:s8], [sflag:s22] =	dma.local [hbm:s6], s20  }
0x9f: {  	_ =	swait.ge [sflag:s22], s20  }
0xa0: {  	s5 =	ssub.s32 $0x0, s20;
	[sflag:s22] =	ssyncset.done $0x0  }
0xa1: {  	[sflag:s22] =	ssyncadd.s32 s5;
	_ =	sdelay $0x1  }
0xa2: {  	s23 =	simm.s32 $0x1B8B  }
0xa3: {  	_ =	swait.ge [sflag:s23], $0x1  }
0xa4: {  	[sflag:s23] =	ssyncset.done $0x0  }
0xa5: {  	s25 =	simm.s32 $0x1B8E;
	s24 =	sld [smem:$0x3FFE];
	[sflag:s23] =	ssyncadd.s32 $0xFFFFFFFF  }
0xa6: {  	s26 =	simm.s32 $execute0_lowered;
	[smem:$0x3FD2] =	sst s25  }
0xa7: {  	s6 =	sshll.u32 s26, $0x1;
	_ =	strace $0x80000046;
	[dreg:$0x1] =	wrdreg $0xFFFFFFFF  }
0xa8: {  	s28 =	simm.s32 $_size_execute0_lowered;
	s4 =	sadd.s32 s4, s6;
	[dreg:$0x0] =	wrdreg $0x0  }
0xa9: {  	s6 =	sshll.u32 s28, $0x1;
	[dreg:$0x2] =	wrdreg s4  }
0xaa: {  	[dreg:$0x3] =	wrdreg s6  }
0xab: {  	[dreg:$0x4] =	wrdreg $0xC0  }
0xac: {  	_ =	task [dreg:s8], $0x5FFFF  }
0xad: {  	[dreg:$0x1] =	wrdreg $0xFFFFFFFF  }
0xae: {  	[dreg:$0x0] =	wrdreg $0x60  }
0xaf: {  	[dreg:$0x2] =	wrdreg s2  }
0xb0: {  	[dreg:$0x3] =	wrdreg s24  }
0xb1: {  	[dreg:$0x4] =	wrdreg s18  }
0xb2: {  	[dreg:$0x5] =	wrdreg $0x9  }
0xb3: {  	_ =	task.clear_ibuf [dreg:s8], $0x6FFFF;
	_ =	strace $0x90000046  }
0xb4: {  	s29 =	simm.s32 $0x9;
	_ =	strace $0x80000048  }
0xb5: {  	_ =	swait.ge [sflag:s29], $0x1  }
0xb6: {  	[sflag:s29] =	ssyncadd.s32 $0xFFFFFFFF  }
0xb7: {  	_ =	strace $0x90000048  }
0xb8: {  	_ =	sfence  }
0xb9: {  	s30 =	sld [smem:$0x0];
	_ =	sdelay $0x2  }
0xba: {  	s31 =	sshll.u32 s1, $0xD;
	s1 =	sshrl.u32 s1, $0x2  }
0xbb: {  	s3 =	sand.u32 $0x4000, s31;
	s1 =	sadd.s32 s1, s30  }
0xbc: {  	s0 =	sor.u32 s3, s0;
	s1 =	sshll.u32 s1, $0x11  }
0xbd: {  	s0 =	sor.u32 s1, s0  }
0xbe: {  	s0 =	sadd.s32 $0x8F2B, s0  }
0xbf: {  	[sflag:s0] =	ssyncadd.remote.s32 $0x1  }
0xc0: {  	_ =	sfence.sel $0xFFFF  }
0xc1: {  	[dreg:$0x0] =	wrdreg $0xFFFFFFFF;
	(pc) =	sbr.abs _section_cstart, $3  }
0xc2: {  	[dreg:$0x1] =	wrdreg $0xFFFFFFFF  }
0xc3: {  	_ =	task.clear_ibuf [dreg:s8], $0x2FFFF;
	_ =	strace $0x9FFFFFFF  }
0xc4: {  	(tm) =	ssettm $0x7FFFFFFF  }
0xc5: {  	_ =	shalt  }
tec
execute0_lowered:
.L_overlay_start_1:
0x0: {  	(tag) =	ssettag $0x1  }
0x1: {  	s0 =	srdreg.scid;
	s1 =	rddreg [dreg:$0x0]  }
0x2: {  	s3 =	stileid.u32;
	s2 =	rddreg [dreg:$0x1]  }
0x3: {  	s9 =	simm.s32 $0x2;
	s22 =	simm.s32 $0x1;
	s29 =	simm.s32 $0x1100  }
0x4: {  	s30 =	simm.s32 $0x1900;
	s31 =	simm.s32 $0x2100;
	s10 =	simm.s32 $0x4100  }
0x5: {  	s12 =	simm.s32 $0x4900;
	s13 =	simm.s32 $0x5100;
	s14 =	simm.s32 $0x5900  }
0x6: {  	s15 =	simm.s32 $0x6100;
	s16 =	simm.s32 $0x6900;
	s17 =	simm.s32 $0x7100  }
0x7: {  	s18 =	simm.s32 $0x7900;
	s19 =	simm.s32 $0x8100;
	s20 =	simm.s32 $0x8900  }
0x8: {  	s21 =	simm.s32 $0x9100;
	s23 =	simm.s32 $0x9900;
	s0 =	sand.u32 $0x1, s0  }
0x9: {  	s11 =	simm.s32 $0xA100;
	s3 =	sshll.u32 s3, $0x7;
	s4 =	sshll.u32 s0, $0x6  }
0xa: {  	s28 =	simm.s32 $0xB100;
	s0 =	ssub.s32 $0x2, s0;
	s4 =	sor.u32 s4, s3  }
0xb: {  	s3 =	simm.s32 $0x0;
	s25 =	sshrl.u32 s0, $0x1;
	s5 =	sshrl.u32 s4, $0x3  }
0xc: {  	[smem:$0x7FF] =	sst s3;
	s6 =	sshll.u32 s4, $0x4;
	s4 =	sshll.u32 s4, $0x7  }
0xd: {  	s0 =	ssub.s32 s0, s25;
	s5 =	sadd.s32 s5, s2;
	s1 =	sadd.s32 s1, s4  }
0xe: {  	_ =	strace $0x80000047;
	s7 =	sadd.s32 $0x10800, s5;
	[dreg:$0x6] =	wrdreg s1  }
0xf: {  	s6 =	sadd.s32 s6, s2;
	s5 =	sadd.s32 $0x10A00, s5;
	[dreg:$0x4] =	wrdreg s7  }
0x10: {  	s25 =	simm.s32 $0x3100;
	s24 =	sadd.s32 $0x800, s6;
	[dreg:$0x5] =	wrdreg s5  }
0x11: {  	v2 =	vlaneseq.u32;
	s4 =	sadd.s32 $0x10C00, s2;
	s26 =	sadd.s32 $0x8800, s6;
	[dreg:$0x7] =	wrdreg s24  }
0x12: {  	vm0 =	vmmov $0xffff;
	v1 =	vshrl.u32 v2, $0x3;
	s8 =	smax.u32 s0, $0x1;
	s6 =	sadd.s32 $0x10E00, s2;
	[dreg:$0x8] =	wrdreg s26  }
0x13: {  	v0 =	vand.u32 $0x7, v2;
	v2 =	vor.u32 $0x8, v2;
	v1 =	vmul.u32 $0x8, v1;
	s5 =	sadd.s32 $0x10D00, s2;
	s7 =	sadd.s32 $0x10F00, s2;
	s26 =	simm.s32 $0xA900  }
.LBB2_1:
0x14: {  	s24 =	rddreg [dreg:$0x4]  }
0x15: {  	[tilespmem:s3], [sflag:$0x2] =	stream.linear.gather [hbm4b:s24+s3], $0x40, $0x38;
	[tilespmem:$0x14100] =	vst v63  }
0x16: {  	_ =	swait.ge [sflag:s9], $0x40  }
0x17: {  	[sflag:s9] =	ssyncset.done $0x0  }
0x18: {  	s0 =	simm.s32 $0x80;
	s2 =	rddreg [dreg:$0x5];
	[sflag:s9] =	ssyncadd.s32 $0xFFFFFFC0  }
0x19: {  	[tilespmem:s0], [sflag:$0x2] =	stream.linear.gather [hbm4b:s2+s3], $0x40, $0x38;
	[tilespmem:$0x14100] =	vst v63  }
0x1a: {  	_ =	swait.ge [sflag:s9], $0x40  }
0x1b: {  	[sflag:s9] =	ssyncset.done $0x0  }
0x1c: {  	s0 =	simm.s32 $0x100;
	s1 =	rddreg [dreg:$0x6];
	[sflag:s9] =	ssyncadd.s32 $0xFFFFFFC0  }
0x1d: {  	[tilespmem:s0], [sflag:$0x2] =	stream.linear.gather [hbm4b:s1+s3], $0x10000, $0x38;
	[tilespmem:$0x14100] =	vst v63  }
0x1e: {  	_ =	swait.ge [sflag:s9], $0x10000  }
0x1f: {  	[sflag:s9] =	ssyncset.done $0x0  }
0x20: {  	s1 =	simm.s32 $0x10100;
	s2 =	rddreg [dreg:$0x7];
	[sflag:s9] =	ssyncadd.s32 $0xFFFF0000  }
0x21: {  	[tilespmem:s1], [sflag:$0x2] =	stream.linear.gather [hbm4b:s2+s3], $0x2000, $0x38;
	[tilespmem:$0x14100] =	vst v63  }
0x22: {  	_ =	swait.ge [sflag:s9], $0x2000  }
0x23: {  	[sflag:s9] =	ssyncset.done $0x0  }
0x24: {  	s2 =	simm.s32 $0x12100;
	s1 =	rddreg [dreg:$0x8];
	[sflag:s9] =	ssyncadd.s32 $0xFFFFE000  }
0x25: {  	[tilespmem:s2], [sflag:$0x2] =	stream.linear.gather [hbm4b:s1+s3], $0x2000, $0x38;
	[tilespmem:$0x14100] =	vst v63  }
0x26: {  	_ =	swait.ge [sflag:s9], $0x2000  }
0x27: {  	[sflag:s9] =	ssyncset.done $0x0  }
0x28: {  	[sflag:s9] =	ssyncadd.s32 $0xFFFFE000  }
0x29: {  	v3 =	vld [tilespmem:$0x0];
	_ =	sdelay $0x4  }
0x2a: {  	v4 =	vshll.u32 v3, $0x3  }
0x2b: {  	v3 =	vand.u32 $0x7, v3;
	v4 =	vand.u32 $0xFFFFFFC0, v4  }
0x2c: {  	v3 =	vor.u32 v3, v4  }
0x2d: {  	v4 =	vperm.xlane v3, v0;
	_ =	sdelay $0x1  }
0x2e: {  	v4 =	vadd.s32 v1, v4;
	_ =	sdelay $0x4  }
0x2f: {  	[hbm4b:s4+s3] =	stream.indirect_vreg.scatter [tilespmem:s0], [sflag:$0x1], $0x80, v4, vm0, $0xb8;
	[tilespmem:$0x14100] =	vst v63  }
0x30: {  	s24 =	simm.s32 $0x900;
	v3 =	vperm.xlane v3, v2  }
0x31: {  	[hbm4b:s5+s3] =	stream.indirect_vreg.scatter [tilespmem:s24], [sflag:$0x1], $0x80, v4, vm0, $0xb8;
	[tilespmem:$0x14100] =	vst v63  }
0x32: {  	v3 =	vadd.s32 v1, v3  }
0x33: {  	[hbm4b:s6+s3] =	stream.indirect_vreg.scatter [tilespmem:s29], [sflag:$0x1], $0x80, v4, vm0, $0xb8;
	[tilespmem:$0x14100] =	vst v63  }
0x34: {  	_ = 	snop  }
0x35: {  	[hbm4b:s7+s3] =	stream.indirect_vreg.scatter [tilespmem:s30], [sflag:$0x1], $0x80, v4, vm0, $0xb8;
	[tilespmem:$0x14100] =	vst v63  }
0x36: {  	_ = 	snop  }
0x37: {  	[hbm4b:s4+s3] =	stream.indirect_vreg.scatter [tilespmem:s31], [sflag:$0x1], $0x80, v3, vm0, $0xb8;
	[tilespmem:$0x14100] =	vst v63  }
0x38: {  	s2 =	simm.s32 $0x2900  }
0x39: {  	[hbm4b:s5+s3] =	stream.indirect_vreg.scatter [tilespmem:s2], [sflag:$0x1], $0x80, v3, vm0, $0xb8;
	[tilespmem:$0x14100] =	vst v63  }
0x3a: {  	_ = 	snop  }
0x3b: {  	[hbm4b:s6+s3] =	stream.indirect_vreg.scatter [tilespmem:s25], [sflag:$0x1], $0x80, v3, vm0, $0xb8;
	[tilespmem:$0x14100] =	vst v63  }
0x3c: {  	s2 =	simm.s32 $0x3900  }
0x3d: {  	[hbm4b:s7+s3] =	stream.indirect_vreg.scatter [tilespmem:s2], [sflag:$0x1], $0x80, v3, vm0, $0xb8;
	[tilespmem:$0x14100] =	vst v63  }
0x3e: {  	v3 =	vld [tilespmem:$0x10];
	_ =	sdelay $0x4  }
0x3f: {  	v57 =	vshll.u32 v3, $0x3  }
0x40: {  	v3 =	vand.u32 $0x7, v3;
	v4 =	vand.u32 $0xFFFFFFC0, v57  }
0x41: {  	v3 =	vor.u32 v3, v4  }
0x42: {  	v4 =	vperm.xlane v3, v0;
	_ =	sdelay $0x1  }
0x43: {  	v4 =	vadd.s32 v1, v4;
	_ =	sdelay $0x4  }
0x44: {  	[hbm4b:s4+s3] =	stream.indirect_vreg.scatter [tilespmem:s10], [sflag:$0x1], $0x80, v4, vm0, $0xb8;
	[tilespmem:$0x14100] =	vst v63  }
0x45: {  	v3 =	vperm.xlane v3, v2  }
0x46: {  	[hbm4b:s5+s3] =	stream.indirect_vreg.scatter [tilespmem:s12], [sflag:$0x1], $0x80, v4, vm0, $0xb8;
	[tilespmem:$0x14100] =	vst v63  }
0x47: {  	v3 =	vadd.s32 v1, v3  }
0x48: {  	[hbm4b:s6+s3] =	stream.indirect_vreg.scatter [tilespmem:s13], [sflag:$0x1], $0x80, v4, vm0, $0xb8;
	[tilespmem:$0x14100] =	vst v63  }
0x49: {  	_ = 	snop  }
0x4a: {  	[hbm4b:s7+s3] =	stream.indirect_vreg.scatter [tilespmem:s14], [sflag:$0x1], $0x80, v4, vm0, $0xb8;
	[tilespmem:$0x14100] =	vst v63  }
0x4b: {  	_ = 	snop  }
0x4c: {  	[hbm4b:s4+s3] =	stream.indirect_vreg.scatter [tilespmem:s15], [sflag:$0x1], $0x80, v3, vm0, $0xb8;
	[tilespmem:$0x14100] =	vst v63  }
0x4d: {  	_ = 	snop  }
0x4e: {  	[hbm4b:s5+s3] =	stream.indirect_vreg.scatter [tilespmem:s16], [sflag:$0x1], $0x80, v3, vm0, $0xb8;
	[tilespmem:$0x14100] =	vst v63  }
0x4f: {  	_ = 	snop  }
0x50: {  	[hbm4b:s6+s3] =	stream.indirect_vreg.scatter [tilespmem:s17], [sflag:$0x1], $0x80, v3, vm0, $0xb8;
	[tilespmem:$0x14100] =	vst v63  }
0x51: {  	_ = 	snop  }
0x52: {  	[hbm4b:s7+s3] =	stream.indirect_vreg.scatter [tilespmem:s18], [sflag:$0x1], $0x80, v3, vm0, $0xb8;
	[tilespmem:$0x14100] =	vst v63  }
0x53: {  	v3 =	vld [tilespmem:$0x20];
	_ =	sdelay $0x4  }
0x54: {  	v58 =	vshll.u32 v3, $0x3  }
0x55: {  	v3 =	vand.u32 $0x7, v3;
	v4 =	vand.u32 $0xFFFFFFC0, v58  }
0x56: {  	v3 =	vor.u32 v3, v4  }
0x57: {  	v4 =	vperm.xlane v3, v0;
	_ =	sdelay $0x1  }
0x58: {  	v4 =	vadd.s32 v1, v4;
	_ =	sdelay $0x4  }
0x59: {  	[hbm4b:s4+s3] =	stream.indirect_vreg.scatter [tilespmem:s19], [sflag:$0x1], $0x80, v4, vm0, $0xb8;
	[tilespmem:$0x14100] =	vst v63  }
0x5a: {  	v3 =	vperm.xlane v3, v2  }
0x5b: {  	[hbm4b:s5+s3] =	stream.indirect_vreg.scatter [tilespmem:s20], [sflag:$0x1], $0x80, v4, vm0, $0xb8;
	[tilespmem:$0x14100] =	vst v63  }
0x5c: {  	v3 =	vadd.s32 v1, v3  }
0x5d: {  	[hbm4b:s6+s3] =	stream.indirect_vreg.scatter [tilespmem:s21], [sflag:$0x1], $0x80, v4, vm0, $0xb8;
	[tilespmem:$0x14100] =	vst v63  }
0x5e: {  	_ = 	snop  }
0x5f: {  	[hbm4b:s7+s3] =	stream.indirect_vreg.scatter [tilespmem:s23], [sflag:$0x1], $0x80, v4, vm0, $0xb8;
	[tilespmem:$0x14100] =	vst v63  }
0x60: {  	_ = 	snop  }
0x61: {  	[hbm4b:s4+s3] =	stream.indirect_vreg.scatter [tilespmem:s11], [sflag:$0x1], $0x80, v3, vm0, $0xb8;
	[tilespmem:$0x14100] =	vst v63  }
0x62: {  	_ = 	snop  }
0x63: {  	[hbm4b:s5+s3] =	stream.indirect_vreg.scatter [tilespmem:s26], [sflag:$0x1], $0x80, v3, vm0, $0xb8;
	[tilespmem:$0x14100] =	vst v63  }
0x64: {  	_ = 	snop  }
0x65: {  	[hbm4b:s6+s3] =	stream.indirect_vreg.scatter [tilespmem:s28], [sflag:$0x1], $0x80, v3, vm0, $0xb8;
	[tilespmem:$0x14100] =	vst v63  }
0x66: {  	s1 =	simm.s32 $0xB900  }
0x67: {  	[hbm4b:s7+s3] =	stream.indirect_vreg.scatter [tilespmem:s1], [sflag:$0x1], $0x80, v3, vm0, $0xb8;
	[tilespmem:$0x14100] =	vst v63  }
0x68: {  	v3 =	vld [tilespmem:$0x30];
	_ =	sdelay $0x4  }
0x69: {  	v59 =	vshll.u32 v3, $0x3  }
0x6a: {  	v3 =	vand.u32 $0x7, v3;
	v4 =	vand.u32 $0xFFFFFFC0, v59  }
0x6b: {  	v3 =	vor.u32 v3, v4  }
0x6c: {  	v4 =	vperm.xlane v3, v0;
	_ =	sdelay $0x1  }
0x6d: {  	v4 =	vadd.s32 v1, v4;
	_ =	sdelay $0x3  }
0x6e: {  	s1 =	simm.s32 $0xC100  }
0x6f: {  	[hbm4b:s4+s3] =	stream.indirect_vreg.scatter [tilespmem:s1], [sflag:$0x1], $0x80, v4, vm0, $0xb8;
	[tilespmem:$0x14100] =	vst v63  }
0x70: {  	v3 =	vperm.xlane v3, v2;
	s1 =	simm.s32 $0xC900  }
0x71: {  	[hbm4b:s5+s3] =	stream.indirect_vreg.scatter [tilespmem:s1], [sflag:$0x1], $0x80, v4, vm0, $0xb8;
	[tilespmem:$0x14100] =	vst v63  }
0x72: {  	v3 =	vadd.s32 v1, v3;
	s1 =	simm.s32 $0xD100  }
0x73: {  	[hbm4b:s6+s3] =	stream.indirect_vreg.scatter [tilespmem:s1], [sflag:$0x1], $0x80, v4, vm0, $0xb8;
	[tilespmem:$0x14100] =	vst v63  }
0x74: {  	s1 =	simm.s32 $0xD900  }
0x75: {  	[hbm4b:s7+s3] =	stream.indirect_vreg.scatter [tilespmem:s1], [sflag:$0x1], $0x80, v4, vm0, $0xb8;
	[tilespmem:$0x14100] =	vst v63  }
0x76: {  	s1 =	simm.s32 $0xE100  }
0x77: {  	[hbm4b:s4+s3] =	stream.indirect_vreg.scatter [tilespmem:s1], [sflag:$0x1], $0x80, v3, vm0, $0xb8;
	[tilespmem:$0x14100] =	vst v63  }
0x78: {  	s1 =	simm.s32 $0xE900  }
0x79: {  	[hbm4b:s5+s3] =	stream.indirect_vreg.scatter [tilespmem:s1], [sflag:$0x1], $0x80, v3, vm0, $0xb8;
	[tilespmem:$0x14100] =	vst v63  }
0x7a: {  	s1 =	simm.s32 $0xF100  }
0x7b: {  	[hbm4b:s6+s3] =	stream.indirect_vreg.scatter [tilespmem:s1], [sflag:$0x1], $0x80, v3, vm0, $0xb8;
	[tilespmem:$0x14100] =	vst v63  }
0x7c: {  	s1 =	simm.s32 $0xF900  }
0x7d: {  	[hbm4b:s7+s3] =	stream.indirect_vreg.scatter [tilespmem:s1], [sflag:$0x1], $0x80, v3, vm0, $0xb8;
	[tilespmem:$0x14100] =	vst v63  }
0x7e: {  	_ =	swait.ge [sflag:s22], $0x10000  }
0x7f: {  	[sflag:s22] =	ssyncset.done $0x0  }
0x80: {  	[sflag:s22] =	ssyncadd.s32 $0xFFFF0000  }
0x81: {  	v3 =	vld [tilespmem:$0x80];
	_ =	sdelay $0x4  }
0x82: {  	v60 =	vshll.u32 v3, $0x3  }
0x83: {  	v3 =	vand.u32 $0x7, v3;
	v4 =	vand.u32 $0xFFFFFFC0, v60  }
0x84: {  	v3 =	vor.u32 v3, v4  }
0x85: {  	v4 =	vperm.xlane v3, v0;
	_ =	sdelay $0x1  }
0x86: {  	v4 =	vadd.s32 v1, v4;
	_ =	sdelay $0x4  }
0x87: {  	[hbm4b:s4+s3] =	stream.indirect_vreg.scatter [tilespmem:s0], [sflag:$0x1], $0x80, v4, vm0, $0xb8;
	[tilespmem:$0x14100] =	vst v63  }
0x88: {  	v3 =	vperm.xlane v3, v2  }
0x89: {  	[hbm4b:s5+s3] =	stream.indirect_vreg.scatter [tilespmem:s24], [sflag:$0x1], $0x80, v4, vm0, $0xb8;
	[tilespmem:$0x14100] =	vst v63  }
0x8a: {  	v3 =	vadd.s32 v1, v3  }
0x8b: {  	[hbm4b:s6+s3] =	stream.indirect_vreg.scatter [tilespmem:s29], [sflag:$0x1], $0x80, v4, vm0, $0xb8;
	[tilespmem:$0x14100] =	vst v63  }
0x8c: {  	_ = 	snop  }
0x8d: {  	[hbm4b:s7+s3] =	stream.indirect_vreg.scatter [tilespmem:s30], [sflag:$0x1], $0x80, v4, vm0, $0xb8;
	[tilespmem:$0x14100] =	vst v63  }
0x8e: {  	_ = 	snop  }
0x8f: {  	[hbm4b:s4+s3] =	stream.indirect_vreg.scatter [tilespmem:s31], [sflag:$0x1], $0x80, v3, vm0, $0xb8;
	[tilespmem:$0x14100] =	vst v63  }
0x90: {  	s24 =	simm.s32 $0x2900  }
0x91: {  	[hbm4b:s5+s3] =	stream.indirect_vreg.scatter [tilespmem:s24], [sflag:$0x1], $0x80, v3, vm0, $0xb8;
	[tilespmem:$0x14100] =	vst v63  }
0x92: {  	_ = 	snop  }
0x93: {  	[hbm4b:s6+s3] =	stream.indirect_vreg.scatter [tilespmem:s25], [sflag:$0x1], $0x80, v3, vm0, $0xb8;
	[tilespmem:$0x14100] =	vst v63  }
0x94: {  	_ = 	snop  }
0x95: {  	[hbm4b:s7+s3] =	stream.indirect_vreg.scatter [tilespmem:s2], [sflag:$0x1], $0x80, v3, vm0, $0xb8;
	[tilespmem:$0x14100] =	vst v63  }
0x96: {  	v3 =	vld [tilespmem:$0x90];
	_ =	sdelay $0x4  }
0x97: {  	v61 =	vshll.u32 v3, $0x3  }
0x98: {  	v3 =	vand.u32 $0x7, v3;
	v4 =	vand.u32 $0xFFFFFFC0, v61  }
0x99: {  	v3 =	vor.u32 v3, v4  }
0x9a: {  	v4 =	vperm.xlane v3, v0;
	_ =	sdelay $0x1  }
0x9b: {  	v4 =	vadd.s32 v1, v4;
	_ =	sdelay $0x4  }
0x9c: {  	[hbm4b:s4+s3] =	stream.indirect_vreg.scatter [tilespmem:s10], [sflag:$0x1], $0x80, v4, vm0, $0xb8;
	[tilespmem:$0x14100] =	vst v63  }
0x9d: {  	v3 =	vperm.xlane v3, v2  }
0x9e: {  	[hbm4b:s5+s3] =	stream.indirect_vreg.scatter [tilespmem:s12], [sflag:$0x1], $0x80, v4, vm0, $0xb8;
	[tilespmem:$0x14100] =	vst v63  }
0x9f: {  	v3 =	vadd.s32 v1, v3  }
0xa0: {  	[hbm4b:s6+s3] =	stream.indirect_vreg.scatter [tilespmem:s13], [sflag:$0x1], $0x80, v4, vm0, $0xb8;
	[tilespmem:$0x14100] =	vst v63  }
0xa1: {  	_ = 	snop  }
0xa2: {  	[hbm4b:s7+s3] =	stream.indirect_vreg.scatter [tilespmem:s14], [sflag:$0x1], $0x80, v4, vm0, $0xb8;
	[tilespmem:$0x14100] =	vst v63  }
0xa3: {  	_ = 	snop  }
0xa4: {  	[hbm4b:s4+s3] =	stream.indirect_vreg.scatter [tilespmem:s15], [sflag:$0x1], $0x80, v3, vm0, $0xb8;
	[tilespmem:$0x14100] =	vst v63  }
0xa5: {  	_ = 	snop  }
0xa6: {  	[hbm4b:s5+s3] =	stream.indirect_vreg.scatter [tilespmem:s16], [sflag:$0x1], $0x80, v3, vm0, $0xb8;
	[tilespmem:$0x14100] =	vst v63  }
0xa7: {  	_ = 	snop  }
0xa8: {  	[hbm4b:s6+s3] =	stream.indirect_vreg.scatter [tilespmem:s17], [sflag:$0x1], $0x80, v3, vm0, $0xb8;
	[tilespmem:$0x14100] =	vst v63  }
0xa9: {  	_ = 	snop  }
0xaa: {  	[hbm4b:s7+s3] =	stream.indirect_vreg.scatter [tilespmem:s18], [sflag:$0x1], $0x80, v3, vm0, $0xb8;
	[tilespmem:$0x14100] =	vst v63  }
0xab: {  	v3 =	vld [tilespmem:$0xA0];
	_ =	sdelay $0x4  }
0xac: {  	v62 =	vshll.u32 v3, $0x3  }
0xad: {  	v3 =	vand.u32 $0x7, v3;
	v4 =	vand.u32 $0xFFFFFFC0, v62  }
0xae: {  	v3 =	vor.u32 v3, v4  }
0xaf: {  	v4 =	vperm.xlane v3, v0;
	_ =	sdelay $0x1  }
0xb0: {  	v4 =	vadd.s32 v1, v4;
	_ =	sdelay $0x4  }
0xb1: {  	[hbm4b:s4+s3] =	stream.indirect_vreg.scatter [tilespmem:s19], [sflag:$0x1], $0x80, v4, vm0, $0xb8;
	[tilespmem:$0x14100] =	vst v63  }
0xb2: {  	v3 =	vperm.xlane v3, v2  }
0xb3: {  	[hbm4b:s5+s3] =	stream.indirect_vreg.scatter [tilespmem:s20], [sflag:$0x1], $0x80, v4, vm0, $0xb8;
	[tilespmem:$0x14100] =	vst v63  }
0xb4: {  	v3 =	vadd.s32 v1, v3  }
0xb5: {  	[hbm4b:s6+s3] =	stream.indirect_vreg.scatter [tilespmem:s21], [sflag:$0x1], $0x80, v4, vm0, $0xb8;
	[tilespmem:$0x14100] =	vst v63  }
0xb6: {  	_ = 	snop  }
0xb7: {  	[hbm4b:s7+s3] =	stream.indirect_vreg.scatter [tilespmem:s23], [sflag:$0x1], $0x80, v4, vm0, $0xb8;
	[tilespmem:$0x14100] =	vst v63  }
0xb8: {  	_ = 	snop  }
0xb9: {  	[hbm4b:s4+s3] =	stream.indirect_vreg.scatter [tilespmem:s11], [sflag:$0x1], $0x80, v3, vm0, $0xb8;
	[tilespmem:$0x14100] =	vst v63  }
0xba: {  	_ = 	snop  }
0xbb: {  	[hbm4b:s5+s3] =	stream.indirect_vreg.scatter [tilespmem:s26], [sflag:$0x1], $0x80, v3, vm0, $0xb8;
	[tilespmem:$0x14100] =	vst v63  }
0xbc: {  	_ = 	snop  }
0xbd: {  	[hbm4b:s6+s3] =	stream.indirect_vreg.scatter [tilespmem:s28], [sflag:$0x1], $0x80, v3, vm0, $0xb8;
	[tilespmem:$0x14100] =	vst v63  }
0xbe: {  	s2 =	simm.s32 $0xB900  }
0xbf: {  	[hbm4b:s7+s3] =	stream.indirect_vreg.scatter [tilespmem:s2], [sflag:$0x1], $0x80, v3, vm0, $0xb8;
	[tilespmem:$0x14100] =	vst v63  }
0xc0: {  	v3 =	vld [tilespmem:$0xB0];
	_ =	sdelay $0x4  }
0xc1: {  	v63 =	vshll.u32 v3, $0x3  }
0xc2: {  	v3 =	vand.u32 $0x7, v3;
	v4 =	vand.u32 $0xFFFFFFC0, v63  }
0xc3: {  	v3 =	vor.u32 v3, v4  }
0xc4: {  	v4 =	vperm.xlane v3, v0;
	_ =	sdelay $0x1  }
0xc5: {  	v4 =	vadd.s32 v1, v4;
	_ =	sdelay $0x3  }
0xc6: {  	s24 =	simm.s32 $0xC100  }
0xc7: {  	[hbm4b:s4+s3] =	stream.indirect_vreg.scatter [tilespmem:s24], [sflag:$0x1], $0x80, v4, vm0, $0xb8;
	[tilespmem:$0x14100] =	vst v63  }
0xc8: {  	s2 =	simm.s32 $0xC900;
	v3 =	vperm.xlane v3, v2  }
0xc9: {  	[hbm4b:s5+s3] =	stream.indirect_vreg.scatter [tilespmem:s2], [sflag:$0x1], $0x80, v4, vm0, $0xb8;
	[tilespmem:$0x14100] =	vst v63  }
0xca: {  	v3 =	vadd.s32 v1, v3;
	s24 =	simm.s32 $0xD100  }
0xcb: {  	[hbm4b:s6+s3] =	stream.indirect_vreg.scatter [tilespmem:s24], [sflag:$0x1], $0x80, v4, vm0, $0xb8;
	[tilespmem:$0x14100] =	vst v63  }
0xcc: {  	s2 =	simm.s32 $0xD900  }
0xcd: {  	[hbm4b:s7+s3] =	stream.indirect_vreg.scatter [tilespmem:s2], [sflag:$0x1], $0x80, v4, vm0, $0xb8;
	[tilespmem:$0x14100] =	vst v63  }
0xce: {  	s24 =	simm.s32 $0xE100  }
0xcf: {  	[hbm4b:s4+s3] =	stream.indirect_vreg.scatter [tilespmem:s24], [sflag:$0x1], $0x80, v3, vm0, $0xb8;
	[tilespmem:$0x14100] =	vst v63  }
0xd0: {  	s2 =	simm.s32 $0xE900  }
0xd1: {  	[hbm4b:s5+s3] =	stream.indirect_vreg.scatter [tilespmem:s2], [sflag:$0x1], $0x80, v3, vm0, $0xb8;
	[tilespmem:$0x14100] =	vst v63  }
0xd2: {  	s24 =	simm.s32 $0xF100  }
0xd3: {  	[hbm4b:s6+s3] =	stream.indirect_vreg.scatter [tilespmem:s24], [sflag:$0x1], $0x80, v3, vm0, $0xb8;
	[tilespmem:$0x14100] =	vst v63  }
0xd4: {  	s1 =	simm.s32 $0xF900  }
0xd5: {  	[hbm4b:s7+s3] =	stream.indirect_vreg.scatter [tilespmem:s1], [sflag:$0x1], $0x80, v3, vm0, $0xb8;
	[tilespmem:$0x14100] =	vst v63  }
0xd6: {  	_ =	swait.ge [sflag:s22], $0x10000  }
0xd7: {  	[sflag:s22] =	ssyncset.done $0x0  }
0xd8: {  	[sflag:s22] =	ssyncadd.s32 $0xFFFF0000  }
0xd9: {  	s0 =	simm.s32 $0x40;
	s2 =	simm.s32 $0x10100;
	s24 =	rddreg [dreg:$0x2]  }
0xda: {  	[hbm4b:s24+s0] =	stream.indirect.scatter [tilespmem:s2], [sflag:$0x1], $0x80, s3, s0, $0xb8;
	[tilespmem:$0x14100] =	vst v63  }
0xdb: {  	_ =	swait.ge [sflag:s22], $0x2000  }
0xdc: {  	p0 =	sne.s32 s8, $0x1;
	s1 =	simm.s32 $0x80;
	[sflag:s22] =	ssyncset.done $0x0  }
.Ltmp0:
0xdd: {  	s2 =	simm.s32 $0x12100;
	[sflag:s22] =	ssyncadd.s32 $0xFFFFE000;
	(pc) =	sbr.rel @p0 .LBB2_1-.Ltmp0, $4  }
0xde: {  	[hbm4b:s24+s0] =	stream.indirect.scatter [tilespmem:s2], [sflag:$0x1], $0x80, s1, s0, $0xb8;
	[tilespmem:$0x14100] =	vst v63  }
0xdf: {  	_ =	swait.ge [sflag:s22], $0x2000  }
0xe0: {  	[sflag:s22] =	ssyncset.done $0x0  }
0xe1: {  	s8 =	sadd.s32 $0xFFFFFFFF, s8;
	[sflag:s22] =	ssyncadd.s32 $0xFFFFE000  }
0xe2: {  	_ =	sfence.sel $0x180000  }
0xe3: {  	[bflag:$0x0] =	sbarrier.arrive $0xFFFF  }
0xe4: {  	_ =	strace $0x90000047  }
0xe5: {  	s0 =	stileid.u32;
	[bflag:$0x2] =	sbarrier.arrive $0xFFFF  }
0xe6: {  	p0 =	sne.s32 s0, $0x0;
	s0 =	rddreg [dreg:$0x3]  }
0xe7: {  	s0 =	sadd.s32 @!p0 $0x100000, s0  }
0xe8: {  	[sflag:s0] =	ssyncadd.tile.s32 @!p0 $0x1;
	_ =	shalt  }
.Lfunc_end2:
_tile_overlayer_lowered:
.L_overlay_start_2:
0xe9: {  	(tag) =	ssettag $0x2  }
0xea: {  	s0 =	rddreg [dreg:$0x0];
	s2 =	stileid.u32  }
0xeb: {  	s1 =	rddreg [dreg:$0x1];
	p0 =	sne.s32 s2, $0x0  }
0xec: {  	s3 =	rddreg [dreg:$0x2];
	[bflag:$0x3] =	sbarrier.arrive $0xFFFF;
	s2 =	simm.s32 @!p0 $0x1C02  }
0xed: {  	[timem:s3], [sflag:s2] =	dma.local @!p0 [hbm:s0], s1  }
0xee: {  	s0 =	simm.s32 @!p0 $0x2  }
0xef: {  	_ =	swait.ge @!p0 [sflag:s0], s1  }
0xf0: {  	s1 =	ssub.s32 @!p0 $0x0, s1;
	[sflag:s0] =	ssyncset.done @!p0 $0x0  }
0xf1: {  	[sflag:s0] =	ssyncadd.s32 @!p0 s1  }
0xf2: {  	[bflag:$0x3] =	sbarrier.arrive $0xFFFF  }
0xf3: {  	_ =	shalt  }

</sc_bundles>
